<compile_context>
chip_gen: v7x
topology: tpu7x:2x2x1
jax: 0.10.2.dev20260603
libtpu: 0.0.44.dev20260713+nightly
codegen_flags: <defaults>
</compile_context>

<pallas_src>
import functools

import jax
import jax.numpy as jnp
from jax import lax
from jax.experimental import pallas as pl
from jax.experimental.pallas import tpu as pltpu
from jax.experimental.pallas import tpu_sc as plsc

N = 10000
D_IN = 128
H1 = 32
H2 = 64
PK = 4
NP = N // PK

NC = 2
NS = 16
NW = NC * NS
EPW_CH = 80
NCH = 125
NB = 8
N_PAD = 10240
NP_PAD = N_PAD // PK



def _mm_packed(x4, bdl, bdr):
    def body(x_r, wl_r, wr_r, p_r, r_r):
        xb = x_r[...]
        p_r[...] = jnp.dot(xb, wl_r[...], preferred_element_type=jnp.float32)
        r_r[...] = jnp.dot(xb, wr_r[...], preferred_element_type=jnp.float32)
    BR = 640
    grid = -(-NP // BR)
    return pl.pallas_call(
        body,
        grid=(grid,),
        in_specs=[
            pl.BlockSpec((BR, PK * D_IN), lambda i: (i, 0)),
            pl.BlockSpec((PK * D_IN, PK * H1), lambda i: (0, 0)),
            pl.BlockSpec((PK * D_IN, PK * H1), lambda i: (0, 0)),
        ],
        out_specs=[
            pl.BlockSpec((BR, PK * H1), lambda i: (i, 0)),
            pl.BlockSpec((BR, PK * H1), lambda i: (i, 0)),
        ],
        out_shape=[
            jax.ShapeDtypeStruct((NP, PK * H1), jnp.float32),
            jax.ShapeDtypeStruct((NP, PK * H1), jnp.float32),
        ],
    )(x4, bdl, bdr)


def _layer1_elem(agg, deg, R1p, b1p):
    def body(a_r, d_r, r_r, b_r, h_r):
        a = a_r[...]
        d = d_r[...]
        s = a[0] + a[1]
        dd = jnp.maximum(d[0] + d[1], 1.0)
        h_r[...] = jnp.maximum(s / dd + b_r[...] + r_r[...], 0.0)
    BR = 640
    grid = -(-NP // BR)
    return pl.pallas_call(
        body,
        grid=(grid,),
        in_specs=[
            pl.BlockSpec((NC, BR, PK * H1), lambda i: (0, i, 0)),
            pl.BlockSpec((NC, BR, PK * H1), lambda i: (0, i, 0)),
            pl.BlockSpec((BR, PK * H1), lambda i: (i, 0)),
            pl.BlockSpec((1, PK * H1), lambda i: (0, 0)),
        ],
        out_specs=pl.BlockSpec((BR, PK * H1), lambda i: (i, 0)),
        out_shape=jax.ShapeDtypeStruct((NP, PK * H1), jnp.float32),
    )(agg, deg, R1p, b1p)


def _layer2_out(agg, deg, hp, bd2, b2p):
    def body(a_r, d_r, h_r, w_r, b_r, o_r):
        a = a_r[...]
        d = d_r[...]
        m = (a[0] + a[1]) / jnp.maximum(d[0] + d[1], 1.0)
        mh = jnp.concatenate([m, h_r[...]], axis=1)
        o_r[...] = (
            jnp.dot(mh, w_r[...], preferred_element_type=jnp.float32)
            + b_r[...]
        )
    BR = 640
    grid = -(-NP // BR)
    return pl.pallas_call(
        body,
        grid=(grid,),
        in_specs=[
            pl.BlockSpec((NC, BR, PK * H1), lambda i: (0, i, 0)),
            pl.BlockSpec((NC, BR, PK * H1), lambda i: (0, i, 0)),
            pl.BlockSpec((BR, PK * H1), lambda i: (i, 0)),
            pl.BlockSpec((2 * PK * H1, PK * H2), lambda i: (0, 0)),
            pl.BlockSpec((1, PK * H2), lambda i: (0, 0)),
        ],
        out_specs=pl.BlockSpec((BR, PK * H2), lambda i: (i, 0)),
        out_shape=jax.ShapeDtypeStruct((NP, PK * H2), jnp.float32),
    )(agg, deg, hp, bd2, b2p)



def _sc_segsum(table, edges, zeros, ones, with_deg):
    epw = NCH * EPW_CH
    mesh = plsc.VectorSubcoreMesh(core_axis_name="c", subcore_axis_name="s")
    n_acc = 2 if with_deg else 1
    out_type = [jax.ShapeDtypeStruct((NC, N_PAD, H1), jnp.float32)] * n_acc
    scratch = [
        pltpu.VMEM((epw,), jnp.int32),
        pltpu.VMEM((NCH, EPW_CH), jnp.int32),
        pltpu.VMEM((NB, EPW_CH, H1), jnp.float32),
        pltpu.VMEM((EPW_CH, H1), jnp.float32),
        pltpu.SemaphoreType.DMA((NB,)),
        pltpu.SemaphoreType.DMA((NB,)),
        pltpu.SemaphoreType.DMA((NB,)),
        pltpu.SemaphoreType.DMA,
        pltpu.VMEM_SHARED((N, H1), jnp.float32),
        pltpu.VMEM_SHARED((N_PAD, H1), jnp.float32),
    ]
    if with_deg:
        scratch.append(pltpu.VMEM_SHARED((N_PAD, H1), jnp.float32))

    rpt = N_PAD // NS

    @functools.partial(pl.kernel, mesh=mesh, out_type=out_type,
                       scratch_types=scratch,
                       compiler_params=pltpu.CompilerParams(
                           use_tc_tiling_on_sc=False))
    def k(table_h, edge_h, zeros_h, ones_h, *rest):
        if with_deg:
            (agg_o, deg_o, src_v, dst_v, rows_v, ones_v,
             gsem, ssem, dsem, csem, table_s, acc_s, deg_s) = rest
        else:
            (agg_o, src_v, dst_v, rows_v, ones_v,
             gsem, ssem, dsem, csem, table_s, acc_s) = rest
        cid = lax.axis_index("c")
        sid = lax.axis_index("s")
        wid = sid * NC + cid
        base = wid * epw
        pltpu.sync_copy(edge_h.at[0, pl.ds(base, epw)], src_v)

        def dst_start(j, carry):
            pltpu.async_copy(edge_h.at[1, pl.ds(base + j * EPW_CH, EPW_CH)],
                             dst_v.at[j], csem)
            return carry

        lax.fori_loop(0, NCH, dst_start, 0)
        if with_deg:
            pltpu.sync_copy(ones_h, ones_v)
        row_sl = pl.ds(sid * rpt, rpt)
        pltpu.sync_copy(zeros_h.at[row_sl], acc_s.at[row_sl])
        if with_deg:
            pltpu.sync_copy(zeros_h.at[row_sl], deg_s.at[row_sl])
        tpt = N // NS
        tab_sl = pl.ds(sid * tpt, tpt)
        pltpu.sync_copy(table_h.at[tab_sl], table_s.at[tab_sl])

        def dst_wait(j, carry):
            pltpu.make_async_copy(
                edge_h.at[1, pl.ds(base + j * EPW_CH, EPW_CH)],
                dst_v.at[j], csem).wait()
            return carry

        lax.fori_loop(0, NCH, dst_wait, 0)
        plsc.subcore_barrier()

        for b in range(NB):
            pltpu.async_copy(
                table_s.at[src_v.at[pl.ds(b * EPW_CH, EPW_CH)]],
                rows_v.at[b], gsem.at[b])

        def step(i, carry):
            b = lax.rem(i, NB)
            src_sl = src_v.at[pl.ds(i * EPW_CH, EPW_CH)]
            pltpu.make_async_copy(table_s.at[src_sl], rows_v.at[b],
                                  gsem.at[b]).wait()
            sc = pltpu.async_copy(rows_v.at[b], acc_s.at[dst_v.at[i]],
                                  ssem.at[b], add=True)
            if with_deg:
                dc = pltpu.async_copy(ones_v, deg_s.at[dst_v.at[i]],
                                      dsem.at[b], add=True)
            sc.wait()
            if with_deg:
                dc.wait()
            nxt = i + NB
            @pl.when(nxt < NCH)
            def _():
                pltpu.async_copy(
                    table_s.at[src_v.at[pl.ds(nxt * EPW_CH, EPW_CH)]],
                    rows_v.at[b], gsem.at[b])
            return carry

        lax.fori_loop(0, NCH, step, 0)
        plsc.subcore_barrier()
        pltpu.sync_copy(acc_s.at[row_sl], agg_o.at[cid, row_sl])
        if with_deg:
            pltpu.sync_copy(deg_s.at[row_sl], deg_o.at[cid, row_sl])

    res = k(table, edges, zeros, ones)
    return res if with_deg else res[0]



def kernel(x, edge_index, W1l, b1l, W1r, W2l, b2l, W2r):
    eye = jnp.eye(PK, dtype=jnp.float32)
    bd1l = jnp.kron(eye, W1l.T)
    bd1r = jnp.kron(eye, W1r.T)
    bd2 = jnp.concatenate(
        [jnp.kron(eye, W2l.T), jnp.kron(eye, W2r.T)], axis=0)
    b1p = jnp.tile(b1l, PK).reshape(1, PK * H1)
    b2p = jnp.tile(b2l, PK).reshape(1, PK * H2)
    zeros = jnp.zeros((N_PAD, H1), jnp.float32)
    ones = jnp.ones((EPW_CH, H1), jnp.float32)
    x4 = x.reshape(NP, PK * D_IN)

    P1p, R1p = _mm_packed(x4, bd1l, bd1r)
    agg1, deg = _sc_segsum(P1p.reshape(N, H1), edge_index, zeros, ones,
                           with_deg=True)
    agg1p = agg1.reshape(NC, NP_PAD, PK * H1)
    degp = deg.reshape(NC, NP_PAD, PK * H1)
    hp = _layer1_elem(agg1p, degp, R1p, b1p)
    agg2 = _sc_segsum(hp.reshape(N, H1), edge_index, zeros, ones,
                      with_deg=False)
    agg2p = agg2.reshape(NC, NP_PAD, PK * H1)
    outp = _layer2_out(agg2p, degp, hp, bd2, b2p)
    return outp.reshape(N, H2)

# --- scband reference (transcript-rebuilt; emitter-appended) ---
"""Pipeline reference for scband-graph-sage-16716012716699 (READ-ONLY COPY).

The authoritative reference and input builder live on the scoring server;
editing this copy changes nothing except your own understanding.
"""

import jax, jax.numpy as jnp
import numpy as np

N = 10000
E = 320000
D_IN = 128
H1 = 32
H2 = 64


def setup_inputs(seed: int = 0) -> dict:
    key = jax.random.key(seed)
    ks = jax.random.split(key, 9)
    x = jax.random.normal(ks[0], (N, D_IN), dtype=jnp.float32)
    edge_index = jax.random.randint(ks[1], (2, E), 0, N, dtype=jnp.int32)
    # SAGEConv params: out = lin_l(mean_agg(x_j)) + lin_r(x); lin_l has bias, lin_r no bias (PyG default)
    W1l = jax.random.normal(ks[2], (H1, D_IN), dtype=jnp.float32) * (1.0 / np.sqrt(D_IN))
    b1l = jnp.zeros((H1,), dtype=jnp.float32)
    W1r = jax.random.normal(ks[3], (H1, D_IN), dtype=jnp.float32) * (1.0 / np.sqrt(D_IN))
    W2l = jax.random.normal(ks[4], (H2, H1), dtype=jnp.float32) * (1.0 / np.sqrt(H1))
    b2l = jnp.zeros((H2,), dtype=jnp.float32)
    W2r = jax.random.normal(ks[5], (H2, H1), dtype=jnp.float32) * (1.0 / np.sqrt(H1))
    return {"x": x, "edge_index": edge_index, "W1l": W1l, "b1l": b1l, "W1r": W1r, "W2l": W2l, "b2l": b2l, "W2r": W2r}


def _sage_conv(x, edge_index, Wl, bl, Wr):
    src = edge_index[0]
    dst = edge_index[1]
    msgs = jnp.take(x, src, axis=0)  # gather source node features per edge
    agg = jax.ops.segment_sum(msgs, dst, num_segments=N)
    deg = jax.ops.segment_sum(jnp.ones((edge_index.shape[1],), dtype=x.dtype), dst, num_segments=N)
    mean = agg / jnp.clip(deg, 1.0)[:, None]
    return mean @ Wl.T + bl + x @ Wr.T


def reference(x, edge_index, W1l, b1l, W1r, W2l, b2l, W2r):
    h = _sage_conv(x, edge_index, W1l, b1l, W1r)
    h = jax.nn.relu(h)
    out = _sage_conv(h, edge_index, W2l, b2l, W2r)
    return out

if __name__ == "__main__":
    import jax
    _d = setup_inputs()
    print(jax.jit(kernel)(*tuple(_d.values())))

</pallas_src>

<mosaic_0001>
#map = affine_map<(d0, d1) -> (0, 0)>
#map1 = affine_map<(d0, d1) -> (0, 0, 0)>
module attributes {stable_mosaic.version = 14 : i64} {
  func.func @k(%arg0: i32, %arg1: i32, %arg2: memref<10000x32xf32, #tpu.memory_space<hbm>>, %arg3: memref<2x320000xi32, #tpu.memory_space<hbm>>, %arg4: memref<10240x32xf32, #tpu.memory_space<hbm>>, %arg5: memref<80x32xf32, #tpu.memory_space<hbm>>, %arg6: memref<2x10240x32xf32, #tpu.memory_space<hbm>>, %arg7: memref<10000xi32, #tpu.memory_space<vmem>>, %arg8: memref<125x80xi32, #tpu.memory_space<vmem>>, %arg9: memref<8x80x32xf32, #tpu.memory_space<vmem>>, %arg10: memref<80x32xf32, #tpu.memory_space<vmem>>, %arg11: memref<8x!tpu.dma_semaphore, #tpu.memory_space<semaphore_mem>>, %arg12: memref<8x!tpu.dma_semaphore, #tpu.memory_space<semaphore_mem>>, %arg13: memref<8x!tpu.dma_semaphore, #tpu.memory_space<semaphore_mem>>, %arg14: memref<!tpu.dma_semaphore, #tpu.memory_space<semaphore_mem>>, %arg15: memref<10000x32xf32, #tpu.memory_space<vmem_shared>>, %arg16: memref<10240x32xf32, #tpu.memory_space<vmem_shared>>) attributes {dimension_semantics = [#tpu.dimension_semantics<core_parallel>, #tpu.dimension_semantics<subcore_parallel>], iteration_bounds = array<i64: 2, 16>, scalar_prefetch = 0 : i64, scratch_operands = 10 : i64, tpu.core_type = #tpu.core_type<sc_vector_subcore>, window_params = [{transform_indices = #map}, {transform_indices = #map}, {transform_indices = #map}, {transform_indices = #map}, {transform_indices = #map1}]} {
    %mul3A = arith.constant 2 : i32
    %mul3A_0 = arith.muli %arg1, %mul3A : i32
    %add3A = arith.addi %mul3A_0, %arg0 : i32
    %mul3A_1 = arith.constant 10000 : i32
    %mul3A_2 = arith.muli %add3A, %mul3A_1 : i32
    %run_scoped3A = arith.constant 0 : i32
    "tpu.region"() ({
      %run_scoped3A_128 = tpu.sem_alloc : memref<!tpu.dma_semaphore, #tpu.memory_space<semaphore_mem>>
      %dma_start3A_129 = tpu.memref_slice %arg3[%run_scoped3A, %mul3A_2] : memref<2x320000xi32, #tpu.memory_space<hbm>> -> memref<1x10000xi32, #tpu.memory_space<hbm>>
      %dma_start3A_130 = tpu.memref_squeeze %dma_start3A_129 : memref<1x10000xi32, #tpu.memory_space<hbm>> -> memref<10000xi32, #tpu.memory_space<hbm>>
      %dma_start3A_131 = tpu.memref_slice %arg3[%run_scoped3A, %mul3A_2] : memref<2x320000xi32, #tpu.memory_space<hbm>> -> memref<1x10000xi32, #tpu.memory_space<hbm>>
      %dma_start3A_132 = tpu.memref_squeeze %dma_start3A_131 : memref<1x10000xi32, #tpu.memory_space<hbm>> -> memref<10000xi32, #tpu.memory_space<hbm>>
      tpu.enqueue_dma source(%dma_start3A_132 : memref<10000xi32, #tpu.memory_space<hbm>>) target(%arg7 : memref<10000xi32, #tpu.memory_space<vmem>>) target_semaphore(%run_scoped3A_128 : memref<!tpu.dma_semaphore, #tpu.memory_space<semaphore_mem>>)
      %dma_wait3A = tpu.memref_slice %arg3[%run_scoped3A, %mul3A_2] : memref<2x320000xi32, #tpu.memory_space<hbm>> -> memref<1x10000xi32, #tpu.memory_space<hbm>>
      %dma_wait3A_133 = tpu.memref_squeeze %dma_wait3A : memref<1x10000xi32, #tpu.memory_space<hbm>> -> memref<10000xi32, #tpu.memory_space<hbm>>
      %dma_wait3A_134 = tpu.memref_slice %arg3[%run_scoped3A, %mul3A_2] : memref<2x320000xi32, #tpu.memory_space<hbm>> -> memref<1x10000xi32, #tpu.memory_space<hbm>>
      %dma_wait3A_135 = tpu.memref_squeeze %dma_wait3A_134 : memref<1x10000xi32, #tpu.memory_space<hbm>> -> memref<10000xi32, #tpu.memory_space<hbm>>
      tpu.wait_dma2 semaphore(%run_scoped3A_128 : memref<!tpu.dma_semaphore, #tpu.memory_space<semaphore_mem>>) src(%dma_wait3A_135 : memref<10000xi32, #tpu.memory_space<hbm>>) dst(%arg7 : memref<10000xi32, #tpu.memory_space<vmem>>)
      tpu.yield
    }) : () -> ()
    %scan3A = arith.constant 0 : i32
    %scan3A_3 = arith.constant 0 : i32
    %scan3A_4 = arith.constant 125 : i32
    %scan3A_5 = arith.addi %scan3A_3, %scan3A_4 : i32
    %scan3A_6 = arith.constant 1 : i32
    scf.for %scan3A_128 = %scan3A_3 to %scan3A_5 step %scan3A_6  : i32 {
      %mul3A_129 = arith.constant 80 : i32
      %mul3A_130 = arith.muli %scan3A_128, %mul3A_129 : i32
      %add3A_131 = arith.addi %mul3A_2, %mul3A_130 : i32
      %dma_start3A_132 = arith.constant 1 : i32
      %dma_start3A_133 = arith.constant 0 : i32
      %dma_start3A_134 = tpu.memref_slice %arg8[%scan3A_128, %dma_start3A_133] : memref<125x80xi32, #tpu.memory_space<vmem>> -> memref<1x80xi32, #tpu.memory_space<vmem>>
      %dma_start3A_135 = tpu.memref_squeeze %dma_start3A_134 : memref<1x80xi32, #tpu.memory_space<vmem>> -> memref<80xi32, #tpu.memory_space<vmem>>
      %dma_start3A_136 = tpu.memref_slice %arg3[%dma_start3A_132, %add3A_131] : memref<2x320000xi32, #tpu.memory_space<hbm>> -> memref<1x80xi32, #tpu.memory_space<hbm>>
      %dma_start3A_137 = tpu.memref_squeeze %dma_start3A_136 : memref<1x80xi32, #tpu.memory_space<hbm>> -> memref<80xi32, #tpu.memory_space<hbm>>
      %dma_start3A_138 = arith.constant 0 : i32
      %dma_start3A_139 = tpu.memref_slice %arg8[%scan3A_128, %dma_start3A_138] : memref<125x80xi32, #tpu.memory_space<vmem>> -> memref<1x80xi32, #tpu.memory_space<vmem>>
      %dma_start3A_140 = tpu.memref_squeeze %dma_start3A_139 : memref<1x80xi32, #tpu.memory_space<vmem>> -> memref<80xi32, #tpu.memory_space<vmem>>
      %dma_start3A_141 = tpu.memref_slice %arg3[%dma_start3A_132, %add3A_131] : memref<2x320000xi32, #tpu.memory_space<hbm>> -> memref<1x80xi32, #tpu.memory_space<hbm>>
      %dma_start3A_142 = tpu.memref_squeeze %dma_start3A_141 : memref<1x80xi32, #tpu.memory_space<hbm>> -> memref<80xi32, #tpu.memory_space<hbm>>
      tpu.enqueue_dma source(%dma_start3A_142 : memref<80xi32, #tpu.memory_space<hbm>>) target(%dma_start3A_140 : memref<80xi32, #tpu.memory_space<vmem>>) target_semaphore(%arg14 : memref<!tpu.dma_semaphore, #tpu.memory_space<semaphore_mem>>)
    }
    %scan3A_7 = arith.constant 125 : i32
    %mul3A_8 = arith.constant 640 : i32
    %mul3A_9 = arith.muli %arg1, %mul3A_8 : i32
    "tpu.region"() ({
      %run_scoped3A_128 = tpu.sem_alloc : memref<!tpu.dma_semaphore, #tpu.memory_space<semaphore_mem>>
      %dma_start3A_129 = arith.constant 0 : i32
      %dma_start3A_130 = tpu.memref_slice %arg16[%mul3A_9, %dma_start3A_129] : memref<10240x32xf32, #tpu.memory_space<vmem_shared>> -> memref<640x32xf32, #tpu.memory_space<vmem_shared>>
      %dma_start3A_131 = arith.constant 0 : i32
      %dma_start3A_132 = tpu.memref_slice %arg4[%mul3A_9, %dma_start3A_131] : memref<10240x32xf32, #tpu.memory_space<hbm>> -> memref<640x32xf32, #tpu.memory_space<hbm>>
      tpu.enqueue_dma source(%dma_start3A_132 : memref<640x32xf32, #tpu.memory_space<hbm>>) target(%dma_start3A_130 : memref<640x32xf32, #tpu.memory_space<vmem_shared>>) target_semaphore(%run_scoped3A_128 : memref<!tpu.dma_semaphore, #tpu.memory_space<semaphore_mem>>)
      %dma_wait3A = arith.constant 0 : i32
      %dma_wait3A_133 = tpu.memref_slice %arg16[%mul3A_9, %dma_wait3A] : memref<10240x32xf32, #tpu.memory_space<vmem_shared>> -> memref<640x32xf32, #tpu.memory_space<vmem_shared>>
      %dma_wait3A_134 = arith.constant 0 : i32
      %dma_wait3A_135 = tpu.memref_slice %arg4[%mul3A_9, %dma_wait3A_134] : memref<10240x32xf32, #tpu.memory_space<hbm>> -> memref<640x32xf32, #tpu.memory_space<hbm>>
      tpu.wait_dma2 semaphore(%run_scoped3A_128 : memref<!tpu.dma_semaphore, #tpu.memory_space<semaphore_mem>>) src(%dma_wait3A_135 : memref<640x32xf32, #tpu.memory_space<hbm>>) dst(%dma_wait3A_133 : memref<640x32xf32, #tpu.memory_space<vmem_shared>>)
      tpu.yield
    }) : () -> ()
    %mul3A_10 = arith.constant 625 : i32
    %mul3A_11 = arith.muli %arg1, %mul3A_10 : i32
    "tpu.region"() ({
      %run_scoped3A_128 = tpu.sem_alloc : memref<!tpu.dma_semaphore, #tpu.memory_space<semaphore_mem>>
      %dma_start3A_129 = arith.constant 0 : i32
      %dma_start3A_130 = tpu.memref_slice %arg15[%mul3A_11, %dma_start3A_129] : memref<10000x32xf32, #tpu.memory_space<vmem_shared>> -> memref<625x32xf32, #tpu.memory_space<vmem_shared>>
      %dma_start3A_131 = arith.constant 0 : i32
      %dma_start3A_132 = tpu.memref_slice %arg2[%mul3A_11, %dma_start3A_131] : memref<10000x32xf32, #tpu.memory_space<hbm>> -> memref<625x32xf32, #tpu.memory_space<hbm>>
      tpu.enqueue_dma source(%dma_start3A_132 : memref<625x32xf32, #tpu.memory_space<hbm>>) target(%dma_start3A_130 : memref<625x32xf32, #tpu.memory_space<vmem_shared>>) target_semaphore(%run_scoped3A_128 : memref<!tpu.dma_semaphore, #tpu.memory_space<semaphore_mem>>)
      %dma_wait3A = arith.constant 0 : i32
      %dma_wait3A_133 = tpu.memref_slice %arg15[%mul3A_11, %dma_wait3A] : memref<10000x32xf32, #tpu.memory_space<vmem_shared>> -> memref<625x32xf32, #tpu.memory_space<vmem_shared>>
      %dma_wait3A_134 = arith.constant 0 : i32
      %dma_wait3A_135 = tpu.memref_slice %arg2[%mul3A_11, %dma_wait3A_134] : memref<10000x32xf32, #tpu.memory_space<hbm>> -> memref<625x32xf32, #tpu.memory_space<hbm>>
      tpu.wait_dma2 semaphore(%run_scoped3A_128 : memref<!tpu.dma_semaphore, #tpu.memory_space<semaphore_mem>>) src(%dma_wait3A_135 : memref<625x32xf32, #tpu.memory_space<hbm>>) dst(%dma_wait3A_133 : memref<625x32xf32, #tpu.memory_space<vmem_shared>>)
      tpu.yield
    }) : () -> ()
    %scan3A_12 = arith.constant 0 : i32
    %scan3A_13 = arith.constant 0 : i32
    %scan3A_14 = arith.constant 125 : i32
    %scan3A_15 = arith.addi %scan3A_13, %scan3A_14 : i32
    %scan3A_16 = arith.constant 1 : i32
    scf.for %scan3A_128 = %scan3A_13 to %scan3A_15 step %scan3A_16  : i32 {
      %mul3A_129 = arith.constant 80 : i32
      %mul3A_130 = arith.muli %scan3A_128, %mul3A_129 : i32
      %add3A_131 = arith.addi %mul3A_2, %mul3A_130 : i32
      %dma_wait3A = arith.constant 1 : i32
      %dma_wait3A_132 = arith.constant 0 : i32
      %dma_wait3A_133 = tpu.memref_slice %arg8[%scan3A_128, %dma_wait3A_132] : memref<125x80xi32, #tpu.memory_space<vmem>> -> memref<1x80xi32, #tpu.memory_space<vmem>>
      %dma_wait3A_134 = tpu.memref_squeeze %dma_wait3A_133 : memref<1x80xi32, #tpu.memory_space<vmem>> -> memref<80xi32, #tpu.memory_space<vmem>>
      %dma_wait3A_135 = tpu.memref_slice %arg3[%dma_wait3A, %add3A_131] : memref<2x320000xi32, #tpu.memory_space<hbm>> -> memref<1x80xi32, #tpu.memory_space<hbm>>
      %dma_wait3A_136 = tpu.memref_squeeze %dma_wait3A_135 : memref<1x80xi32, #tpu.memory_space<hbm>> -> memref<80xi32, #tpu.memory_space<hbm>>
      %dma_wait3A_137 = arith.constant 0 : i32
      %dma_wait3A_138 = tpu.memref_slice %arg8[%scan3A_128, %dma_wait3A_137] : memref<125x80xi32, #tpu.memory_space<vmem>> -> memref<1x80xi32, #tpu.memory_space<vmem>>
      %dma_wait3A_139 = tpu.memref_squeeze %dma_wait3A_138 : memref<1x80xi32, #tpu.memory_space<vmem>> -> memref<80xi32, #tpu.memory_space<vmem>>
      %dma_wait3A_140 = tpu.memref_slice %arg3[%dma_wait3A, %add3A_131] : memref<2x320000xi32, #tpu.memory_space<hbm>> -> memref<1x80xi32, #tpu.memory_space<hbm>>
      %dma_wait3A_141 = tpu.memref_squeeze %dma_wait3A_140 : memref<1x80xi32, #tpu.memory_space<hbm>> -> memref<80xi32, #tpu.memory_space<hbm>>
      tpu.wait_dma2 semaphore(%arg14 : memref<!tpu.dma_semaphore, #tpu.memory_space<semaphore_mem>>) src(%dma_wait3A_141 : memref<80xi32, #tpu.memory_space<hbm>>) dst(%dma_wait3A_139 : memref<80xi32, #tpu.memory_space<vmem>>)
    }
    %scan3A_17 = arith.constant 125 : i32
    %barrier3A = arith.constant 0 : index
    tpu.barrier barrier_id(%barrier3A)
    %dma_start3A = arith.constant 0 : i32
    %dma_start3A_18 = arith.constant 0 : i32
    %dma_start3A_19 = arith.constant 0 : i32
    %dma_start3A_20 = arith.constant 0 : i32
    %dma_start3A_21 = tpu.memref_slice %arg9[%dma_start3A, %dma_start3A_19, %dma_start3A_20] : memref<8x80x32xf32, #tpu.memory_space<vmem>> -> memref<1x80x32xf32, #tpu.memory_space<vmem>>
    %dma_start3A_22 = tpu.memref_squeeze %dma_start3A_21 : memref<1x80x32xf32, #tpu.memory_space<vmem>> -> memref<80x32xf32, #tpu.memory_space<vmem>>
    %dma_start3A_23 = arith.constant 0 : i32
    %dma_start3A_24 = tpu.memref_slice %arg7[%dma_start3A_23] : memref<10000xi32, #tpu.memory_space<vmem>> -> memref<80xi32, #tpu.memory_space<vmem>>
    %dma_start3A_25 = arith.constant 0 : i32
    %dma_start3A_26 = arith.constant 0 : i32
    %dma_start3A_27 = tpu.memref_slice %arg15[%dma_start3A_25, %dma_start3A_26] : memref<10000x32xf32, #tpu.memory_space<vmem_shared>> -> memref<10000x32xf32, #tpu.memory_space<vmem_shared>>
    %dma_start3A_28 = tpu.memref_slice %arg11[%dma_start3A_18] : memref<8x!tpu.dma_semaphore, #tpu.memory_space<semaphore_mem>> -> memref<1x!tpu.dma_semaphore, #tpu.memory_space<semaphore_mem>>
    %dma_start3A_29 = tpu.memref_squeeze %dma_start3A_28 : memref<1x!tpu.dma_semaphore, #tpu.memory_space<semaphore_mem>> -> memref<!tpu.dma_semaphore, #tpu.memory_space<semaphore_mem>>
    tpu.enqueue_indirect_dma source(%dma_start3A_27 : memref<10000x32xf32, #tpu.memory_space<vmem_shared>>) target(%dma_start3A_22 : memref<80x32xf32, #tpu.memory_space<vmem>>) offsets(%dma_start3A_24 : memref<80xi32, #tpu.memory_space<vmem>>) semaphore(%dma_start3A_29 : memref<!tpu.dma_semaphore, #tpu.memory_space<semaphore_mem>>)
    %dma_start3A_30 = arith.constant 1 : i32
    %dma_start3A_31 = arith.constant 1 : i32
    %dma_start3A_32 = arith.constant 0 : i32
    %dma_start3A_33 = arith.constant 0 : i32
    %dma_start3A_34 = tpu.memref_slice %arg9[%dma_start3A_30, %dma_start3A_32, %dma_start3A_33] : memref<8x80x32xf32, #tpu.memory_space<vmem>> -> memref<1x80x32xf32, #tpu.memory_space<vmem>>
    %dma_start3A_35 = tpu.memref_squeeze %dma_start3A_34 : memref<1x80x32xf32, #tpu.memory_space<vmem>> -> memref<80x32xf32, #tpu.memory_space<vmem>>
    %dma_start3A_36 = arith.constant 80 : i32
    %dma_start3A_37 = tpu.memref_slice %arg7[%dma_start3A_36] : memref<10000xi32, #tpu.memory_space<vmem>> -> memref<80xi32, #tpu.memory_space<vmem>>
    %dma_start3A_38 = arith.constant 0 : i32
    %dma_start3A_39 = arith.constant 0 : i32
    %dma_start3A_40 = tpu.memref_slice %arg15[%dma_start3A_38, %dma_start3A_39] : memref<10000x32xf32, #tpu.memory_space<vmem_shared>> -> memref<10000x32xf32, #tpu.memory_space<vmem_shared>>
    %dma_start3A_41 = tpu.memref_slice %arg11[%dma_start3A_31] : memref<8x!tpu.dma_semaphore, #tpu.memory_space<semaphore_mem>> -> memref<1x!tpu.dma_semaphore, #tpu.memory_space<semaphore_mem>>
    %dma_start3A_42 = tpu.memref_squeeze %dma_start3A_41 : memref<1x!tpu.dma_semaphore, #tpu.memory_space<semaphore_mem>> -> memref<!tpu.dma_semaphore, #tpu.memory_space<semaphore_mem>>
    tpu.enqueue_indirect_dma source(%dma_start3A_40 : memref<10000x32xf32, #tpu.memory_space<vmem_shared>>) target(%dma_start3A_35 : memref<80x32xf32, #tpu.memory_space<vmem>>) offsets(%dma_start3A_37 : memref<80xi32, #tpu.memory_space<vmem>>) semaphore(%dma_start3A_42 : memref<!tpu.dma_semaphore, #tpu.memory_space<semaphore_mem>>)
    %dma_start3A_43 = arith.constant 2 : i32
    %dma_start3A_44 = arith.constant 2 : i32
    %dma_start3A_45 = arith.constant 0 : i32
    %dma_start3A_46 = arith.constant 0 : i32
    %dma_start3A_47 = tpu.memref_slice %arg9[%dma_start3A_43, %dma_start3A_45, %dma_start3A_46] : memref<8x80x32xf32, #tpu.memory_space<vmem>> -> memref<1x80x32xf32, #tpu.memory_space<vmem>>
    %dma_start3A_48 = tpu.memref_squeeze %dma_start3A_47 : memref<1x80x32xf32, #tpu.memory_space<vmem>> -> memref<80x32xf32, #tpu.memory_space<vmem>>
    %dma_start3A_49 = arith.constant 160 : i32
    %dma_start3A_50 = tpu.memref_slice %arg7[%dma_start3A_49] : memref<10000xi32, #tpu.memory_space<vmem>> -> memref<80xi32, #tpu.memory_space<vmem>>
    %dma_start3A_51 = arith.constant 0 : i32
    %dma_start3A_52 = arith.constant 0 : i32
    %dma_start3A_53 = tpu.memref_slice %arg15[%dma_start3A_51, %dma_start3A_52] : memref<10000x32xf32, #tpu.memory_space<vmem_shared>> -> memref<10000x32xf32, #tpu.memory_space<vmem_shared>>
    %dma_start3A_54 = tpu.memref_slice %arg11[%dma_start3A_44] : memref<8x!tpu.dma_semaphore, #tpu.memory_space<semaphore_mem>> -> memref<1x!tpu.dma_semaphore, #tpu.memory_space<semaphore_mem>>
    %dma_start3A_55 = tpu.memref_squeeze %dma_start3A_54 : memref<1x!tpu.dma_semaphore, #tpu.memory_space<semaphore_mem>> -> memref<!tpu.dma_semaphore, #tpu.memory_space<semaphore_mem>>
    tpu.enqueue_indirect_dma source(%dma_start3A_53 : memref<10000x32xf32, #tpu.memory_space<vmem_shared>>) target(%dma_start3A_48 : memref<80x32xf32, #tpu.memory_space<vmem>>) offsets(%dma_start3A_50 : memref<80xi32, #tpu.memory_space<vmem>>) semaphore(%dma_start3A_55 : memref<!tpu.dma_semaphore, #tpu.memory_space<semaphore_mem>>)
    %dma_start3A_56 = arith.constant 3 : i32
    %dma_start3A_57 = arith.constant 3 : i32
    %dma_start3A_58 = arith.constant 0 : i32
    %dma_start3A_59 = arith.constant 0 : i32
    %dma_start3A_60 = tpu.memref_slice %arg9[%dma_start3A_56, %dma_start3A_58, %dma_start3A_59] : memref<8x80x32xf32, #tpu.memory_space<vmem>> -> memref<1x80x32xf32, #tpu.memory_space<vmem>>
    %dma_start3A_61 = tpu.memref_squeeze %dma_start3A_60 : memref<1x80x32xf32, #tpu.memory_space<vmem>> -> memref<80x32xf32, #tpu.memory_space<vmem>>
    %dma_start3A_62 = arith.constant 240 : i32
    %dma_start3A_63 = tpu.memref_slice %arg7[%dma_start3A_62] : memref<10000xi32, #tpu.memory_space<vmem>> -> memref<80xi32, #tpu.memory_space<vmem>>
    %dma_start3A_64 = arith.constant 0 : i32
    %dma_start3A_65 = arith.constant 0 : i32
    %dma_start3A_66 = tpu.memref_slice %arg15[%dma_start3A_64, %dma_start3A_65] : memref<10000x32xf32, #tpu.memory_space<vmem_shared>> -> memref<10000x32xf32, #tpu.memory_space<vmem_shared>>
    %dma_start3A_67 = tpu.memref_slice %arg11[%dma_start3A_57] : memref<8x!tpu.dma_semaphore, #tpu.memory_space<semaphore_mem>> -> memref<1x!tpu.dma_semaphore, #tpu.memory_space<semaphore_mem>>
    %dma_start3A_68 = tpu.memref_squeeze %dma_start3A_67 : memref<1x!tpu.dma_semaphore, #tpu.memory_space<semaphore_mem>> -> memref<!tpu.dma_semaphore, #tpu.memory_space<semaphore_mem>>
    tpu.enqueue_indirect_dma source(%dma_start3A_66 : memref<10000x32xf32, #tpu.memory_space<vmem_shared>>) target(%dma_start3A_61 : memref<80x32xf32, #tpu.memory_space<vmem>>) offsets(%dma_start3A_63 : memref<80xi32, #tpu.memory_space<vmem>>) semaphore(%dma_start3A_68 : memref<!tpu.dma_semaphore, #tpu.memory_space<semaphore_mem>>)
    %dma_start3A_69 = arith.constant 4 : i32
    %dma_start3A_70 = arith.constant 4 : i32
    %dma_start3A_71 = arith.constant 0 : i32
    %dma_start3A_72 = arith.constant 0 : i32
    %dma_start3A_73 = tpu.memref_slice %arg9[%dma_start3A_69, %dma_start3A_71, %dma_start3A_72] : memref<8x80x32xf32, #tpu.memory_space<vmem>> -> memref<1x80x32xf32, #tpu.memory_space<vmem>>
    %dma_start3A_74 = tpu.memref_squeeze %dma_start3A_73 : memref<1x80x32xf32, #tpu.memory_space<vmem>> -> memref<80x32xf32, #tpu.memory_space<vmem>>
    %dma_start3A_75 = arith.constant 320 : i32
    %dma_start3A_76 = tpu.memref_slice %arg7[%dma_start3A_75] : memref<10000xi32, #tpu.memory_space<vmem>> -> memref<80xi32, #tpu.memory_space<vmem>>
    %dma_start3A_77 = arith.constant 0 : i32
    %dma_start3A_78 = arith.constant 0 : i32
    %dma_start3A_79 = tpu.memref_slice %arg15[%dma_start3A_77, %dma_start3A_78] : memref<10000x32xf32, #tpu.memory_space<vmem_shared>> -> memref<10000x32xf32, #tpu.memory_space<vmem_shared>>
    %dma_start3A_80 = tpu.memref_slice %arg11[%dma_start3A_70] : memref<8x!tpu.dma_semaphore, #tpu.memory_space<semaphore_mem>> -> memref<1x!tpu.dma_semaphore, #tpu.memory_space<semaphore_mem>>
    %dma_start3A_81 = tpu.memref_squeeze %dma_start3A_80 : memref<1x!tpu.dma_semaphore, #tpu.memory_space<semaphore_mem>> -> memref<!tpu.dma_semaphore, #tpu.memory_space<semaphore_mem>>
    tpu.enqueue_indirect_dma source(%dma_start3A_79 : memref<10000x32xf32, #tpu.memory_space<vmem_shared>>) target(%dma_start3A_74 : memref<80x32xf32, #tpu.memory_space<vmem>>) offsets(%dma_start3A_76 : memref<80xi32, #tpu.memory_space<vmem>>) semaphore(%dma_start3A_81 : memref<!tpu.dma_semaphore, #tpu.memory_space<semaphore_mem>>)
    %dma_start3A_82 = arith.constant 5 : i32
    %dma_start3A_83 = arith.constant 5 : i32
    %dma_start3A_84 = arith.constant 0 : i32
    %dma_start3A_85 = arith.constant 0 : i32
    %dma_start3A_86 = tpu.memref_slice %arg9[%dma_start3A_82, %dma_start3A_84, %dma_start3A_85] : memref<8x80x32xf32, #tpu.memory_space<vmem>> -> memref<1x80x32xf32, #tpu.memory_space<vmem>>
    %dma_start3A_87 = tpu.memref_squeeze %dma_start3A_86 : memref<1x80x32xf32, #tpu.memory_space<vmem>> -> memref<80x32xf32, #tpu.memory_space<vmem>>
    %dma_start3A_88 = arith.constant 400 : i32
    %dma_start3A_89 = tpu.memref_slice %arg7[%dma_start3A_88] : memref<10000xi32, #tpu.memory_space<vmem>> -> memref<80xi32, #tpu.memory_space<vmem>>
    %dma_start3A_90 = arith.constant 0 : i32
    %dma_start3A_91 = arith.constant 0 : i32
    %dma_start3A_92 = tpu.memref_slice %arg15[%dma_start3A_90, %dma_start3A_91] : memref<10000x32xf32, #tpu.memory_space<vmem_shared>> -> memref<10000x32xf32, #tpu.memory_space<vmem_shared>>
    %dma_start3A_93 = tpu.memref_slice %arg11[%dma_start3A_83] : memref<8x!tpu.dma_semaphore, #tpu.memory_space<semaphore_mem>> -> memref<1x!tpu.dma_semaphore, #tpu.memory_space<semaphore_mem>>
    %dma_start3A_94 = tpu.memref_squeeze %dma_start3A_93 : memref<1x!tpu.dma_semaphore, #tpu.memory_space<semaphore_mem>> -> memref<!tpu.dma_semaphore, #tpu.memory_space<semaphore_mem>>
    tpu.enqueue_indirect_dma source(%dma_start3A_92 : memref<10000x32xf32, #tpu.memory_space<vmem_shared>>) target(%dma_start3A_87 : memref<80x32xf32, #tpu.memory_space<vmem>>) offsets(%dma_start3A_89 : memref<80xi32, #tpu.memory_space<vmem>>) semaphore(%dma_start3A_94 : memref<!tpu.dma_semaphore, #tpu.memory_space<semaphore_mem>>)
    %dma_start3A_95 = arith.constant 6 : i32
    %dma_start3A_96 = arith.constant 6 : i32
    %dma_start3A_97 = arith.constant 0 : i32
    %dma_start3A_98 = arith.constant 0 : i32
    %dma_start3A_99 = tpu.memref_slice %arg9[%dma_start3A_95, %dma_start3A_97, %dma_start3A_98] : memref<8x80x32xf32, #tpu.memory_space<vmem>> -> memref<1x80x32xf32, #tpu.memory_space<vmem>>
    %dma_start3A_100 = tpu.memref_squeeze %dma_start3A_99 : memref<1x80x32xf32, #tpu.memory_space<vmem>> -> memref<80x32xf32, #tpu.memory_space<vmem>>
    %dma_start3A_101 = arith.constant 480 : i32
    %dma_start3A_102 = tpu.memref_slice %arg7[%dma_start3A_101] : memref<10000xi32, #tpu.memory_space<vmem>> -> memref<80xi32, #tpu.memory_space<vmem>>
    %dma_start3A_103 = arith.constant 0 : i32
    %dma_start3A_104 = arith.constant 0 : i32
    %dma_start3A_105 = tpu.memref_slice %arg15[%dma_start3A_103, %dma_start3A_104] : memref<10000x32xf32, #tpu.memory_space<vmem_shared>> -> memref<10000x32xf32, #tpu.memory_space<vmem_shared>>
    %dma_start3A_106 = tpu.memref_slice %arg11[%dma_start3A_96] : memref<8x!tpu.dma_semaphore, #tpu.memory_space<semaphore_mem>> -> memref<1x!tpu.dma_semaphore, #tpu.memory_space<semaphore_mem>>
    %dma_start3A_107 = tpu.memref_squeeze %dma_start3A_106 : memref<1x!tpu.dma_semaphore, #tpu.memory_space<semaphore_mem>> -> memref<!tpu.dma_semaphore, #tpu.memory_space<semaphore_mem>>
    tpu.enqueue_indirect_dma source(%dma_start3A_105 : memref<10000x32xf32, #tpu.memory_space<vmem_shared>>) target(%dma_start3A_100 : memref<80x32xf32, #tpu.memory_space<vmem>>) offsets(%dma_start3A_102 : memref<80xi32, #tpu.memory_space<vmem>>) semaphore(%dma_start3A_107 : memref<!tpu.dma_semaphore, #tpu.memory_space<semaphore_mem>>)
    %dma_start3A_108 = arith.constant 7 : i32
    %dma_start3A_109 = arith.constant 7 : i32
    %dma_start3A_110 = arith.constant 0 : i32
    %dma_start3A_111 = arith.constant 0 : i32
    %dma_start3A_112 = tpu.memref_slice %arg9[%dma_start3A_108, %dma_start3A_110, %dma_start3A_111] : memref<8x80x32xf32, #tpu.memory_space<vmem>> -> memref<1x80x32xf32, #tpu.memory_space<vmem>>
    %dma_start3A_113 = tpu.memref_squeeze %dma_start3A_112 : memref<1x80x32xf32, #tpu.memory_space<vmem>> -> memref<80x32xf32, #tpu.memory_space<vmem>>
    %dma_start3A_114 = arith.constant 560 : i32
    %dma_start3A_115 = tpu.memref_slice %arg7[%dma_start3A_114] : memref<10000xi32, #tpu.memory_space<vmem>> -> memref<80xi32, #tpu.memory_space<vmem>>
    %dma_start3A_116 = arith.constant 0 : i32
    %dma_start3A_117 = arith.constant 0 : i32
    %dma_start3A_118 = tpu.memref_slice %arg15[%dma_start3A_116, %dma_start3A_117] : memref<10000x32xf32, #tpu.memory_space<vmem_shared>> -> memref<10000x32xf32, #tpu.memory_space<vmem_shared>>
    %dma_start3A_119 = tpu.memref_slice %arg11[%dma_start3A_109] : memref<8x!tpu.dma_semaphore, #tpu.memory_space<semaphore_mem>> -> memref<1x!tpu.dma_semaphore, #tpu.memory_space<semaphore_mem>>
    %dma_start3A_120 = tpu.memref_squeeze %dma_start3A_119 : memref<1x!tpu.dma_semaphore, #tpu.memory_space<semaphore_mem>> -> memref<!tpu.dma_semaphore, #tpu.memory_space<semaphore_mem>>
    tpu.enqueue_indirect_dma source(%dma_start3A_118 : memref<10000x32xf32, #tpu.memory_space<vmem_shared>>) target(%dma_start3A_113 : memref<80x32xf32, #tpu.memory_space<vmem>>) offsets(%dma_start3A_115 : memref<80xi32, #tpu.memory_space<vmem>>) semaphore(%dma_start3A_120 : memref<!tpu.dma_semaphore, #tpu.memory_space<semaphore_mem>>)
    %scan3A_121 = arith.constant 0 : i32
    %scan3A_122 = arith.constant 0 : i32
    %scan3A_123 = arith.constant 125 : i32
    %scan3A_124 = arith.addi %scan3A_122, %scan3A_123 : i32
    %scan3A_125 = arith.constant 1 : i32
    scf.for %scan3A_128 = %scan3A_122 to %scan3A_124 step %scan3A_125  : i32 {
      %rem3A = arith.constant 8 : i32
      %rem3A_129 = arith.remsi %scan3A_128, %rem3A : i32
      %mul3A_130 = arith.constant 80 : i32
      %mul3A_131 = arith.muli %scan3A_128, %mul3A_130 : i32
      %dma_wait3A = arith.constant 0 : i32
      %dma_wait3A_132 = arith.constant 0 : i32
      %dma_wait3A_133 = tpu.memref_slice %arg9[%rem3A_129, %dma_wait3A, %dma_wait3A_132] : memref<8x80x32xf32, #tpu.memory_space<vmem>> -> memref<1x80x32xf32, #tpu.memory_space<vmem>>
      %dma_wait3A_134 = tpu.memref_squeeze %dma_wait3A_133 : memref<1x80x32xf32, #tpu.memory_space<vmem>> -> memref<80x32xf32, #tpu.memory_space<vmem>>
      %dma_wait3A_135 = tpu.memref_slice %arg7[%mul3A_131] : memref<10000xi32, #tpu.memory_space<vmem>> -> memref<80xi32, #tpu.memory_space<vmem>>
      %dma_wait3A_136 = arith.constant 0 : i32
      %dma_wait3A_137 = arith.constant 0 : i32
      %dma_wait3A_138 = tpu.memref_slice %arg15[%dma_wait3A_136, %dma_wait3A_137] : memref<10000x32xf32, #tpu.memory_space<vmem_shared>> -> memref<10000x32xf32, #tpu.memory_space<vmem_shared>>
      %dma_wait3A_139 = tpu.memref_slice %arg11[%rem3A_129] : memref<8x!tpu.dma_semaphore, #tpu.memory_space<semaphore_mem>> -> memref<1x!tpu.dma_semaphore, #tpu.memory_space<semaphore_mem>>
      %dma_wait3A_140 = tpu.memref_squeeze %dma_wait3A_139 : memref<1x!tpu.dma_semaphore, #tpu.memory_space<semaphore_mem>> -> memref<!tpu.dma_semaphore, #tpu.memory_space<semaphore_mem>>
      tpu.wait_indirect_dma semaphore(%dma_wait3A_140 : memref<!tpu.dma_semaphore, #tpu.memory_space<semaphore_mem>>) src(%dma_wait3A_138 : memref<10000x32xf32, #tpu.memory_space<vmem_shared>>) dst(%dma_wait3A_134 : memref<80x32xf32, #tpu.memory_space<vmem>>)
      %dma_start3A_141 = arith.constant 0 : i32
      %dma_start3A_142 = arith.constant 0 : i32
      %dma_start3A_143 = tpu.memref_slice %arg9[%rem3A_129, %dma_start3A_141, %dma_start3A_142] : memref<8x80x32xf32, #tpu.memory_space<vmem>> -> memref<1x80x32xf32, #tpu.memory_space<vmem>>
      %dma_start3A_144 = tpu.memref_squeeze %dma_start3A_143 : memref<1x80x32xf32, #tpu.memory_space<vmem>> -> memref<80x32xf32, #tpu.memory_space<vmem>>
      %dma_start3A_145 = arith.constant 0 : i32
      %dma_start3A_146 = tpu.memref_slice %arg8[%scan3A_128, %dma_start3A_145] : memref<125x80xi32, #tpu.memory_space<vmem>> -> memref<1x80xi32, #tpu.memory_space<vmem>>
      %dma_start3A_147 = tpu.memref_squeeze %dma_start3A_146 : memref<1x80xi32, #tpu.memory_space<vmem>> -> memref<80xi32, #tpu.memory_space<vmem>>
      %dma_start3A_148 = arith.constant 0 : i32
      %dma_start3A_149 = arith.constant 0 : i32
      %dma_start3A_150 = tpu.memref_slice %arg16[%dma_start3A_148, %dma_start3A_149] : memref<10240x32xf32, #tpu.memory_space<vmem_shared>> -> memref<10240x32xf32, #tpu.memory_space<vmem_shared>>
      %dma_start3A_151 = tpu.memref_slice %arg12[%rem3A_129] : memref<8x!tpu.dma_semaphore, #tpu.memory_space<semaphore_mem>> -> memref<1x!tpu.dma_semaphore, #tpu.memory_space<semaphore_mem>>
      %dma_start3A_152 = tpu.memref_squeeze %dma_start3A_151 : memref<1x!tpu.dma_semaphore, #tpu.memory_space<semaphore_mem>> -> memref<!tpu.dma_semaphore, #tpu.memory_space<semaphore_mem>>
      tpu.enqueue_indirect_dma source(%dma_start3A_144 : memref<80x32xf32, #tpu.memory_space<vmem>>) target(%dma_start3A_150 : memref<10240x32xf32, #tpu.memory_space<vmem_shared>>) offsets(%dma_start3A_147 : memref<80xi32, #tpu.memory_space<vmem>>) semaphore(%dma_start3A_152 : memref<!tpu.dma_semaphore, #tpu.memory_space<semaphore_mem>>) {add = true}
      %dma_wait3A_153 = arith.constant 0 : i32
      %dma_wait3A_154 = arith.constant 0 : i32
      %dma_wait3A_155 = tpu.memref_slice %arg9[%rem3A_129, %dma_wait3A_153, %dma_wait3A_154] : memref<8x80x32xf32, #tpu.memory_space<vmem>> -> memref<1x80x32xf32, #tpu.memory_space<vmem>>
      %dma_wait3A_156 = tpu.memref_squeeze %dma_wait3A_155 : memref<1x80x32xf32, #tpu.memory_space<vmem>> -> memref<80x32xf32, #tpu.memory_space<vmem>>
      %dma_wait3A_157 = arith.constant 0 : i32
      %dma_wait3A_158 = tpu.memref_slice %arg8[%scan3A_128, %dma_wait3A_157] : memref<125x80xi32, #tpu.memory_space<vmem>> -> memref<1x80xi32, #tpu.memory_space<vmem>>
      %dma_wait3A_159 = tpu.memref_squeeze %dma_wait3A_158 : memref<1x80xi32, #tpu.memory_space<vmem>> -> memref<80xi32, #tpu.memory_space<vmem>>
      %dma_wait3A_160 = arith.constant 0 : i32
      %dma_wait3A_161 = arith.constant 0 : i32
      %dma_wait3A_162 = tpu.memref_slice %arg16[%dma_wait3A_160, %dma_wait3A_161] : memref<10240x32xf32, #tpu.memory_space<vmem_shared>> -> memref<10240x32xf32, #tpu.memory_space<vmem_shared>>
      %dma_wait3A_163 = tpu.memref_slice %arg12[%rem3A_129] : memref<8x!tpu.dma_semaphore, #tpu.memory_space<semaphore_mem>> -> memref<1x!tpu.dma_semaphore, #tpu.memory_space<semaphore_mem>>
      %dma_wait3A_164 = tpu.memref_squeeze %dma_wait3A_163 : memref<1x!tpu.dma_semaphore, #tpu.memory_space<semaphore_mem>> -> memref<!tpu.dma_semaphore, #tpu.memory_space<semaphore_mem>>
      tpu.wait_indirect_dma semaphore(%dma_wait3A_164 : memref<!tpu.dma_semaphore, #tpu.memory_space<semaphore_mem>>) src(%dma_wait3A_156 : memref<80x32xf32, #tpu.memory_space<vmem>>) dst(%dma_wait3A_162 : memref<10240x32xf32, #tpu.memory_space<vmem_shared>>)
      %add3A_165 = arith.constant 8 : i32
      %add3A_166 = arith.addi %scan3A_128, %add3A_165 : i32
      %lt3A = arith.constant 125 : i32
      %lt3A_167 = arith.cmpi slt, %add3A_166, %lt3A : i32
      %convert_element_type3A = arith.extui %lt3A_167 : i1 to i32
      %cond3A = arith.constant 0 : i32
      %cond3A_168 = arith.cmpi ne, %convert_element_type3A, %cond3A : i32
      scf.if %cond3A_168 {
        %mul3A_169 = arith.constant 80 : i32
        %mul3A_170 = arith.muli %add3A_166, %mul3A_169 : i32
        %dma_start3A_171 = arith.constant 0 : i32
        %dma_start3A_172 = arith.constant 0 : i32
        %dma_start3A_173 = tpu.memref_slice %arg9[%rem3A_129, %dma_start3A_171, %dma_start3A_172] : memref<8x80x32xf32, #tpu.memory_space<vmem>> -> memref<1x80x32xf32, #tpu.memory_space<vmem>>
        %dma_start3A_174 = tpu.memref_squeeze %dma_start3A_173 : memref<1x80x32xf32, #tpu.memory_space<vmem>> -> memref<80x32xf32, #tpu.memory_space<vmem>>
        %dma_start3A_175 = tpu.memref_slice %arg7[%mul3A_170] : memref<10000xi32, #tpu.memory_space<vmem>> -> memref<80xi32, #tpu.memory_space<vmem>>
        %dma_start3A_176 = arith.constant 0 : i32
        %dma_start3A_177 = arith.constant 0 : i32
        %dma_start3A_178 = tpu.memref_slice %arg15[%dma_start3A_176, %dma_start3A_177] : memref<10000x32xf32, #tpu.memory_space<vmem_shared>> -> memref<10000x32xf32, #tpu.memory_space<vmem_shared>>
        %dma_start3A_179 = tpu.memref_slice %arg11[%rem3A_129] : memref<8x!tpu.dma_semaphore, #tpu.memory_space<semaphore_mem>> -> memref<1x!tpu.dma_semaphore, #tpu.memory_space<semaphore_mem>>
        %dma_start3A_180 = tpu.memref_squeeze %dma_start3A_179 : memref<1x!tpu.dma_semaphore, #tpu.memory_space<semaphore_mem>> -> memref<!tpu.dma_semaphore, #tpu.memory_space<semaphore_mem>>
        tpu.enqueue_indirect_dma source(%dma_start3A_178 : memref<10000x32xf32, #tpu.memory_space<vmem_shared>>) target(%dma_start3A_174 : memref<80x32xf32, #tpu.memory_space<vmem>>) offsets(%dma_start3A_175 : memref<80xi32, #tpu.memory_space<vmem>>) semaphore(%dma_start3A_180 : memref<!tpu.dma_semaphore, #tpu.memory_space<semaphore_mem>>)
      } else {
      }
    }
    %scan3A_126 = arith.constant 125 : i32
    %barrier3A_127 = arith.constant 0 : index
    tpu.barrier barrier_id(%barrier3A_127)
    "tpu.region"() ({
      %run_scoped3A_128 = tpu.sem_alloc : memref<!tpu.dma_semaphore, #tpu.memory_space<semaphore_mem>>
      %dma_start3A_129 = arith.constant 0 : i32
      %dma_start3A_130 = tpu.memref_slice %arg6[%arg0, %mul3A_9, %dma_start3A_129] : memref<2x10240x32xf32, #tpu.memory_space<hbm>> -> memref<1x640x32xf32, #tpu.memory_space<hbm>>
      %dma_start3A_131 = tpu.memref_squeeze %dma_start3A_130 : memref<1x640x32xf32, #tpu.memory_space<hbm>> -> memref<640x32xf32, #tpu.memory_space<hbm>>
      %dma_start3A_132 = arith.constant 0 : i32
      %dma_start3A_133 = tpu.memref_slice %arg16[%mul3A_9, %dma_start3A_132] : memref<10240x32xf32, #tpu.memory_space<vmem_shared>> -> memref<640x32xf32, #tpu.memory_space<vmem_shared>>
      tpu.enqueue_dma source(%dma_start3A_133 : memref<640x32xf32, #tpu.memory_space<vmem_shared>>) target(%dma_start3A_131 : memref<640x32xf32, #tpu.memory_space<hbm>>) target_semaphore(%run_scoped3A_128 : memref<!tpu.dma_semaphore, #tpu.memory_space<semaphore_mem>>)
      %dma_wait3A = arith.constant 0 : i32
      %dma_wait3A_134 = tpu.memref_slice %arg6[%arg0, %mul3A_9, %dma_wait3A] : memref<2x10240x32xf32, #tpu.memory_space<hbm>> -> memref<1x640x32xf32, #tpu.memory_space<hbm>>
      %dma_wait3A_135 = tpu.memref_squeeze %dma_wait3A_134 : memref<1x640x32xf32, #tpu.memory_space<hbm>> -> memref<640x32xf32, #tpu.memory_space<hbm>>
      %dma_wait3A_136 = arith.constant 0 : i32
      %dma_wait3A_137 = tpu.memref_slice %arg16[%mul3A_9, %dma_wait3A_136] : memref<10240x32xf32, #tpu.memory_space<vmem_shared>> -> memref<640x32xf32, #tpu.memory_space<vmem_shared>>
      tpu.wait_dma2 semaphore(%run_scoped3A_128 : memref<!tpu.dma_semaphore, #tpu.memory_space<semaphore_mem>>) src(%dma_wait3A_137 : memref<640x32xf32, #tpu.memory_space<vmem_shared>>) dst(%dma_wait3A_135 : memref<640x32xf32, #tpu.memory_space<hbm>>)
      tpu.yield
    }) : () -> ()
    return
  }
}

#map = affine_map<(d0, d1) -> (0, 0)>
#map1 = affine_map<(d0, d1) -> (0, 0, 0)>
module attributes {stable_mosaic.version = 14 : i64} {
  func.func @k(%arg0: i32, %arg1: i32, %arg2: memref<10000x32xf32, #tpu.memory_space<hbm>>, %arg3: memref<2x320000xi32, #tpu.memory_space<hbm>>, %arg4: memref<10240x32xf32, #tpu.memory_space<hbm>>, %arg5: memref<80x32xf32, #tpu.memory_space<hbm>>, %arg6: memref<2x10240x32xf32, #tpu.memory_space<hbm>>, %arg7: memref<2x10240x32xf32, #tpu.memory_space<hbm>>, %arg8: memref<10000xi32, #tpu.memory_space<vmem>>, %arg9: memref<125x80xi32, #tpu.memory_space<vmem>>, %arg10: memref<8x80x32xf32, #tpu.memory_space<vmem>>, %arg11: memref<80x32xf32, #tpu.memory_space<vmem>>, %arg12: memref<8x!tpu.dma_semaphore, #tpu.memory_space<semaphore_mem>>, %arg13: memref<8x!tpu.dma_semaphore, #tpu.memory_space<semaphore_mem>>, %arg14: memref<8x!tpu.dma_semaphore, #tpu.memory_space<semaphore_mem>>, %arg15: memref<!tpu.dma_semaphore, #tpu.memory_space<semaphore_mem>>, %arg16: memref<10000x32xf32, #tpu.memory_space<vmem_shared>>, %arg17: memref<10240x32xf32, #tpu.memory_space<vmem_shared>>, %arg18: memref<10240x32xf32, #tpu.memory_space<vmem_shared>>) attributes {dimension_semantics = [#tpu.dimension_semantics<core_parallel>, #tpu.dimension_semantics<subcore_parallel>], iteration_bounds = array<i64: 2, 16>, scalar_prefetch = 0 : i64, scratch_operands = 11 : i64, tpu.core_type = #tpu.core_type<sc_vector_subcore>, window_params = [{transform_indices = #map}, {transform_indices = #map}, {transform_indices = #map}, {transform_indices = #map}, {transform_indices = #map1}, {transform_indices = #map1}]} {
    %mul3A = arith.constant 2 : i32
    %mul3A_0 = arith.muli %arg1, %mul3A : i32
    %add3A = arith.addi %mul3A_0, %arg0 : i32
    %mul3A_1 = arith.constant 10000 : i32
    %mul3A_2 = arith.muli %add3A, %mul3A_1 : i32
    %run_scoped3A = arith.constant 0 : i32
    "tpu.region"() ({
      %run_scoped3A_128 = tpu.sem_alloc : memref<!tpu.dma_semaphore, #tpu.memory_space<semaphore_mem>>
      %dma_start3A_129 = tpu.memref_slice %arg3[%run_scoped3A, %mul3A_2] : memref<2x320000xi32, #tpu.memory_space<hbm>> -> memref<1x10000xi32, #tpu.memory_space<hbm>>
      %dma_start3A_130 = tpu.memref_squeeze %dma_start3A_129 : memref<1x10000xi32, #tpu.memory_space<hbm>> -> memref<10000xi32, #tpu.memory_space<hbm>>
      %dma_start3A_131 = tpu.memref_slice %arg3[%run_scoped3A, %mul3A_2] : memref<2x320000xi32, #tpu.memory_space<hbm>> -> memref<1x10000xi32, #tpu.memory_space<hbm>>
      %dma_start3A_132 = tpu.memref_squeeze %dma_start3A_131 : memref<1x10000xi32, #tpu.memory_space<hbm>> -> memref<10000xi32, #tpu.memory_space<hbm>>
      tpu.enqueue_dma source(%dma_start3A_132 : memref<10000xi32, #tpu.memory_space<hbm>>) target(%arg8 : memref<10000xi32, #tpu.memory_space<vmem>>) target_semaphore(%run_scoped3A_128 : memref<!tpu.dma_semaphore, #tpu.memory_space<semaphore_mem>>)
      %dma_wait3A = tpu.memref_slice %arg3[%run_scoped3A, %mul3A_2] : memref<2x320000xi32, #tpu.memory_space<hbm>> -> memref<1x10000xi32, #tpu.memory_space<hbm>>
      %dma_wait3A_133 = tpu.memref_squeeze %dma_wait3A : memref<1x10000xi32, #tpu.memory_space<hbm>> -> memref<10000xi32, #tpu.memory_space<hbm>>
      %dma_wait3A_134 = tpu.memref_slice %arg3[%run_scoped3A, %mul3A_2] : memref<2x320000xi32, #tpu.memory_space<hbm>> -> memref<1x10000xi32, #tpu.memory_space<hbm>>
      %dma_wait3A_135 = tpu.memref_squeeze %dma_wait3A_134 : memref<1x10000xi32, #tpu.memory_space<hbm>> -> memref<10000xi32, #tpu.memory_space<hbm>>
      tpu.wait_dma2 semaphore(%run_scoped3A_128 : memref<!tpu.dma_semaphore, #tpu.memory_space<semaphore_mem>>) src(%dma_wait3A_135 : memref<10000xi32, #tpu.memory_space<hbm>>) dst(%arg8 : memref<10000xi32, #tpu.memory_space<vmem>>)
      tpu.yield
    }) : () -> ()
    %scan3A = arith.constant 0 : i32
    %scan3A_3 = arith.constant 0 : i32
    %scan3A_4 = arith.constant 125 : i32
    %scan3A_5 = arith.addi %scan3A_3, %scan3A_4 : i32
    %scan3A_6 = arith.constant 1 : i32
    scf.for %scan3A_128 = %scan3A_3 to %scan3A_5 step %scan3A_6  : i32 {
      %mul3A_129 = arith.constant 80 : i32
      %mul3A_130 = arith.muli %scan3A_128, %mul3A_129 : i32
      %add3A_131 = arith.addi %mul3A_2, %mul3A_130 : i32
      %dma_start3A_132 = arith.constant 1 : i32
      %dma_start3A_133 = arith.constant 0 : i32
      %dma_start3A_134 = tpu.memref_slice %arg9[%scan3A_128, %dma_start3A_133] : memref<125x80xi32, #tpu.memory_space<vmem>> -> memref<1x80xi32, #tpu.memory_space<vmem>>
      %dma_start3A_135 = tpu.memref_squeeze %dma_start3A_134 : memref<1x80xi32, #tpu.memory_space<vmem>> -> memref<80xi32, #tpu.memory_space<vmem>>
      %dma_start3A_136 = tpu.memref_slice %arg3[%dma_start3A_132, %add3A_131] : memref<2x320000xi32, #tpu.memory_space<hbm>> -> memref<1x80xi32, #tpu.memory_space<hbm>>
      %dma_start3A_137 = tpu.memref_squeeze %dma_start3A_136 : memref<1x80xi32, #tpu.memory_space<hbm>> -> memref<80xi32, #tpu.memory_space<hbm>>
      %dma_start3A_138 = arith.constant 0 : i32
      %dma_start3A_139 = tpu.memref_slice %arg9[%scan3A_128, %dma_start3A_138] : memref<125x80xi32, #tpu.memory_space<vmem>> -> memref<1x80xi32, #tpu.memory_space<vmem>>
      %dma_start3A_140 = tpu.memref_squeeze %dma_start3A_139 : memref<1x80xi32, #tpu.memory_space<vmem>> -> memref<80xi32, #tpu.memory_space<vmem>>
      %dma_start3A_141 = tpu.memref_slice %arg3[%dma_start3A_132, %add3A_131] : memref<2x320000xi32, #tpu.memory_space<hbm>> -> memref<1x80xi32, #tpu.memory_space<hbm>>
      %dma_start3A_142 = tpu.memref_squeeze %dma_start3A_141 : memref<1x80xi32, #tpu.memory_space<hbm>> -> memref<80xi32, #tpu.memory_space<hbm>>
      tpu.enqueue_dma source(%dma_start3A_142 : memref<80xi32, #tpu.memory_space<hbm>>) target(%dma_start3A_140 : memref<80xi32, #tpu.memory_space<vmem>>) target_semaphore(%arg15 : memref<!tpu.dma_semaphore, #tpu.memory_space<semaphore_mem>>)
    }
    %scan3A_7 = arith.constant 125 : i32
    "tpu.region"() ({
      %run_scoped3A_128 = tpu.sem_alloc : memref<!tpu.dma_semaphore, #tpu.memory_space<semaphore_mem>>
      tpu.enqueue_dma source(%arg5 : memref<80x32xf32, #tpu.memory_space<hbm>>) target(%arg11 : memref<80x32xf32, #tpu.memory_space<vmem>>) target_semaphore(%run_scoped3A_128 : memref<!tpu.dma_semaphore, #tpu.memory_space<semaphore_mem>>)
      tpu.wait_dma2 semaphore(%run_scoped3A_128 : memref<!tpu.dma_semaphore, #tpu.memory_space<semaphore_mem>>) src(%arg5 : memref<80x32xf32, #tpu.memory_space<hbm>>) dst(%arg11 : memref<80x32xf32, #tpu.memory_space<vmem>>)
      tpu.yield
    }) : () -> ()
    %mul3A_8 = arith.constant 640 : i32
    %mul3A_9 = arith.muli %arg1, %mul3A_8 : i32
    "tpu.region"() ({
      %run_scoped3A_128 = tpu.sem_alloc : memref<!tpu.dma_semaphore, #tpu.memory_space<semaphore_mem>>
      %dma_start3A_129 = arith.constant 0 : i32
      %dma_start3A_130 = tpu.memref_slice %arg17[%mul3A_9, %dma_start3A_129] : memref<10240x32xf32, #tpu.memory_space<vmem_shared>> -> memref<640x32xf32, #tpu.memory_space<vmem_shared>>
      %dma_start3A_131 = arith.constant 0 : i32
      %dma_start3A_132 = tpu.memref_slice %arg4[%mul3A_9, %dma_start3A_131] : memref<10240x32xf32, #tpu.memory_space<hbm>> -> memref<640x32xf32, #tpu.memory_space<hbm>>
      tpu.enqueue_dma source(%dma_start3A_132 : memref<640x32xf32, #tpu.memory_space<hbm>>) target(%dma_start3A_130 : memref<640x32xf32, #tpu.memory_space<vmem_shared>>) target_semaphore(%run_scoped3A_128 : memref<!tpu.dma_semaphore, #tpu.memory_space<semaphore_mem>>)
      %dma_wait3A = arith.constant 0 : i32
      %dma_wait3A_133 = tpu.memref_slice %arg17[%mul3A_9, %dma_wait3A] : memref<10240x32xf32, #tpu.memory_space<vmem_shared>> -> memref<640x32xf32, #tpu.memory_space<vmem_shared>>
      %dma_wait3A_134 = arith.constant 0 : i32
      %dma_wait3A_135 = tpu.memref_slice %arg4[%mul3A_9, %dma_wait3A_134] : memref<10240x32xf32, #tpu.memory_space<hbm>> -> memref<640x32xf32, #tpu.memory_space<hbm>>
      tpu.wait_dma2 semaphore(%run_scoped3A_128 : memref<!tpu.dma_semaphore, #tpu.memory_space<semaphore_mem>>) src(%dma_wait3A_135 : memref<640x32xf32, #tpu.memory_space<hbm>>) dst(%dma_wait3A_133 : memref<640x32xf32, #tpu.memory_space<vmem_shared>>)
      tpu.yield
    }) : () -> ()
    "tpu.region"() ({
      %run_scoped3A_128 = tpu.sem_alloc : memref<!tpu.dma_semaphore, #tpu.memory_space<semaphore_mem>>
      %dma_start3A_129 = arith.constant 0 : i32
      %dma_start3A_130 = tpu.memref_slice %arg18[%mul3A_9, %dma_start3A_129] : memref<10240x32xf32, #tpu.memory_space<vmem_shared>> -> memref<640x32xf32, #tpu.memory_space<vmem_shared>>
      %dma_start3A_131 = arith.constant 0 : i32
      %dma_start3A_132 = tpu.memref_slice %arg4[%mul3A_9, %dma_start3A_131] : memref<10240x32xf32, #tpu.memory_space<hbm>> -> memref<640x32xf32, #tpu.memory_space<hbm>>
      tpu.enqueue_dma source(%dma_start3A_132 : memref<640x32xf32, #tpu.memory_space<hbm>>) target(%dma_start3A_130 : memref<640x32xf32, #tpu.memory_space<vmem_shared>>) target_semaphore(%run_scoped3A_128 : memref<!tpu.dma_semaphore, #tpu.memory_space<semaphore_mem>>)
      %dma_wait3A = arith.constant 0 : i32
      %dma_wait3A_133 = tpu.memref_slice %arg18[%mul3A_9, %dma_wait3A] : memref<10240x32xf32, #tpu.memory_space<vmem_shared>> -> memref<640x32xf32, #tpu.memory_space<vmem_shared>>
      %dma_wait3A_134 = arith.constant 0 : i32
      %dma_wait3A_135 = tpu.memref_slice %arg4[%mul3A_9, %dma_wait3A_134] : memref<10240x32xf32, #tpu.memory_space<hbm>> -> memref<640x32xf32, #tpu.memory_space<hbm>>
      tpu.wait_dma2 semaphore(%run_scoped3A_128 : memref<!tpu.dma_semaphore, #tpu.memory_space<semaphore_mem>>) src(%dma_wait3A_135 : memref<640x32xf32, #tpu.memory_space<hbm>>) dst(%dma_wait3A_133 : memref<640x32xf32, #tpu.memory_space<vmem_shared>>)
      tpu.yield
    }) : () -> ()
    %mul3A_10 = arith.constant 625 : i32
    %mul3A_11 = arith.muli %arg1, %mul3A_10 : i32
    "tpu.region"() ({
      %run_scoped3A_128 = tpu.sem_alloc : memref<!tpu.dma_semaphore, #tpu.memory_space<semaphore_mem>>
      %dma_start3A_129 = arith.constant 0 : i32
      %dma_start3A_130 = tpu.memref_slice %arg16[%mul3A_11, %dma_start3A_129] : memref<10000x32xf32, #tpu.memory_space<vmem_shared>> -> memref<625x32xf32, #tpu.memory_space<vmem_shared>>
      %dma_start3A_131 = arith.constant 0 : i32
      %dma_start3A_132 = tpu.memref_slice %arg2[%mul3A_11, %dma_start3A_131] : memref<10000x32xf32, #tpu.memory_space<hbm>> -> memref<625x32xf32, #tpu.memory_space<hbm>>
      tpu.enqueue_dma source(%dma_start3A_132 : memref<625x32xf32, #tpu.memory_space<hbm>>) target(%dma_start3A_130 : memref<625x32xf32, #tpu.memory_space<vmem_shared>>) target_semaphore(%run_scoped3A_128 : memref<!tpu.dma_semaphore, #tpu.memory_space<semaphore_mem>>)
      %dma_wait3A = arith.constant 0 : i32
      %dma_wait3A_133 = tpu.memref_slice %arg16[%mul3A_11, %dma_wait3A] : memref<10000x32xf32, #tpu.memory_space<vmem_shared>> -> memref<625x32xf32, #tpu.memory_space<vmem_shared>>
      %dma_wait3A_134 = arith.constant 0 : i32
      %dma_wait3A_135 = tpu.memref_slice %arg2[%mul3A_11, %dma_wait3A_134] : memref<10000x32xf32, #tpu.memory_space<hbm>> -> memref<625x32xf32, #tpu.memory_space<hbm>>
      tpu.wait_dma2 semaphore(%run_scoped3A_128 : memref<!tpu.dma_semaphore, #tpu.memory_space<semaphore_mem>>) src(%dma_wait3A_135 : memref<625x32xf32, #tpu.memory_space<hbm>>) dst(%dma_wait3A_133 : memref<625x32xf32, #tpu.memory_space<vmem_shared>>)
      tpu.yield
    }) : () -> ()
    %scan3A_12 = arith.constant 0 : i32
    %scan3A_13 = arith.constant 0 : i32
    %scan3A_14 = arith.constant 125 : i32
    %scan3A_15 = arith.addi %scan3A_13, %scan3A_14 : i32
    %scan3A_16 = arith.constant 1 : i32
    scf.for %scan3A_128 = %scan3A_13 to %scan3A_15 step %scan3A_16  : i32 {
      %mul3A_129 = arith.constant 80 : i32
      %mul3A_130 = arith.muli %scan3A_128, %mul3A_129 : i32
      %add3A_131 = arith.addi %mul3A_2, %mul3A_130 : i32
      %dma_wait3A = arith.constant 1 : i32
      %dma_wait3A_132 = arith.constant 0 : i32
      %dma_wait3A_133 = tpu.memref_slice %arg9[%scan3A_128, %dma_wait3A_132] : memref<125x80xi32, #tpu.memory_space<vmem>> -> memref<1x80xi32, #tpu.memory_space<vmem>>
      %dma_wait3A_134 = tpu.memref_squeeze %dma_wait3A_133 : memref<1x80xi32, #tpu.memory_space<vmem>> -> memref<80xi32, #tpu.memory_space<vmem>>
      %dma_wait3A_135 = tpu.memref_slice %arg3[%dma_wait3A, %add3A_131] : memref<2x320000xi32, #tpu.memory_space<hbm>> -> memref<1x80xi32, #tpu.memory_space<hbm>>
      %dma_wait3A_136 = tpu.memref_squeeze %dma_wait3A_135 : memref<1x80xi32, #tpu.memory_space<hbm>> -> memref<80xi32, #tpu.memory_space<hbm>>
      %dma_wait3A_137 = arith.constant 0 : i32
      %dma_wait3A_138 = tpu.memref_slice %arg9[%scan3A_128, %dma_wait3A_137] : memref<125x80xi32, #tpu.memory_space<vmem>> -> memref<1x80xi32, #tpu.memory_space<vmem>>
      %dma_wait3A_139 = tpu.memref_squeeze %dma_wait3A_138 : memref<1x80xi32, #tpu.memory_space<vmem>> -> memref<80xi32, #tpu.memory_space<vmem>>
      %dma_wait3A_140 = tpu.memref_slice %arg3[%dma_wait3A, %add3A_131] : memref<2x320000xi32, #tpu.memory_space<hbm>> -> memref<1x80xi32, #tpu.memory_space<hbm>>
      %dma_wait3A_141 = tpu.memref_squeeze %dma_wait3A_140 : memref<1x80xi32, #tpu.memory_space<hbm>> -> memref<80xi32, #tpu.memory_space<hbm>>
      tpu.wait_dma2 semaphore(%arg15 : memref<!tpu.dma_semaphore, #tpu.memory_space<semaphore_mem>>) src(%dma_wait3A_141 : memref<80xi32, #tpu.memory_space<hbm>>) dst(%dma_wait3A_139 : memref<80xi32, #tpu.memory_space<vmem>>)
    }
    %scan3A_17 = arith.constant 125 : i32
    %barrier3A = arith.constant 0 : index
    tpu.barrier barrier_id(%barrier3A)
    %dma_start3A = arith.constant 0 : i32
    %dma_start3A_18 = arith.constant 0 : i32
    %dma_start3A_19 = arith.constant 0 : i32
    %dma_start3A_20 = arith.constant 0 : i32
    %dma_start3A_21 = tpu.memref_slice %arg10[%dma_start3A, %dma_start3A_19, %dma_start3A_20] : memref<8x80x32xf32, #tpu.memory_space<vmem>> -> memref<1x80x32xf32, #tpu.memory_space<vmem>>
    %dma_start3A_22 = tpu.memref_squeeze %dma_start3A_21 : memref<1x80x32xf32, #tpu.memory_space<vmem>> -> memref<80x32xf32, #tpu.memory_space<vmem>>
    %dma_start3A_23 = arith.constant 0 : i32
    %dma_start3A_24 = tpu.memref_slice %arg8[%dma_start3A_23] : memref<10000xi32, #tpu.memory_space<vmem>> -> memref<80xi32, #tpu.memory_space<vmem>>
    %dma_start3A_25 = arith.constant 0 : i32
    %dma_start3A_26 = arith.constant 0 : i32
    %dma_start3A_27 = tpu.memref_slice %arg16[%dma_start3A_25, %dma_start3A_26] : memref<10000x32xf32, #tpu.memory_space<vmem_shared>> -> memref<10000x32xf32, #tpu.memory_space<vmem_shared>>
    %dma_start3A_28 = tpu.memref_slice %arg12[%dma_start3A_18] : memref<8x!tpu.dma_semaphore, #tpu.memory_space<semaphore_mem>> -> memref<1x!tpu.dma_semaphore, #tpu.memory_space<semaphore_mem>>
    %dma_start3A_29 = tpu.memref_squeeze %dma_start3A_28 : memref<1x!tpu.dma_semaphore, #tpu.memory_space<semaphore_mem>> -> memref<!tpu.dma_semaphore, #tpu.memory_space<semaphore_mem>>
    tpu.enqueue_indirect_dma source(%dma_start3A_27 : memref<10000x32xf32, #tpu.memory_space<vmem_shared>>) target(%dma_start3A_22 : memref<80x32xf32, #tpu.memory_space<vmem>>) offsets(%dma_start3A_24 : memref<80xi32, #tpu.memory_space<vmem>>) semaphore(%dma_start3A_29 : memref<!tpu.dma_semaphore, #tpu.memory_space<semaphore_mem>>)
    %dma_start3A_30 = arith.constant 1 : i32
    %dma_start3A_31 = arith.constant 1 : i32
    %dma_start3A_32 = arith.constant 0 : i32
    %dma_start3A_33 = arith.constant 0 : i32
    %dma_start3A_34 = tpu.memref_slice %arg10[%dma_start3A_30, %dma_start3A_32, %dma_start3A_33] : memref<8x80x32xf32, #tpu.memory_space<vmem>> -> memref<1x80x32xf32, #tpu.memory_space<vmem>>
    %dma_start3A_35 = tpu.memref_squeeze %dma_start3A_34 : memref<1x80x32xf32, #tpu.memory_space<vmem>> -> memref<80x32xf32, #tpu.memory_space<vmem>>
    %dma_start3A_36 = arith.constant 80 : i32
    %dma_start3A_37 = tpu.memref_slice %arg8[%dma_start3A_36] : memref<10000xi32, #tpu.memory_space<vmem>> -> memref<80xi32, #tpu.memory_space<vmem>>
    %dma_start3A_38 = arith.constant 0 : i32
    %dma_start3A_39 = arith.constant 0 : i32
    %dma_start3A_40 = tpu.memref_slice %arg16[%dma_start3A_38, %dma_start3A_39] : memref<10000x32xf32, #tpu.memory_space<vmem_shared>> -> memref<10000x32xf32, #tpu.memory_space<vmem_shared>>
    %dma_start3A_41 = tpu.memref_slice %arg12[%dma_start3A_31] : memref<8x!tpu.dma_semaphore, #tpu.memory_space<semaphore_mem>> -> memref<1x!tpu.dma_semaphore, #tpu.memory_space<semaphore_mem>>
    %dma_start3A_42 = tpu.memref_squeeze %dma_start3A_41 : memref<1x!tpu.dma_semaphore, #tpu.memory_space<semaphore_mem>> -> memref<!tpu.dma_semaphore, #tpu.memory_space<semaphore_mem>>
    tpu.enqueue_indirect_dma source(%dma_start3A_40 : memref<10000x32xf32, #tpu.memory_space<vmem_shared>>) target(%dma_start3A_35 : memref<80x32xf32, #tpu.memory_space<vmem>>) offsets(%dma_start3A_37 : memref<80xi32, #tpu.memory_space<vmem>>) semaphore(%dma_start3A_42 : memref<!tpu.dma_semaphore, #tpu.memory_space<semaphore_mem>>)
    %dma_start3A_43 = arith.constant 2 : i32
    %dma_start3A_44 = arith.constant 2 : i32
    %dma_start3A_45 = arith.constant 0 : i32
    %dma_start3A_46 = arith.constant 0 : i32
    %dma_start3A_47 = tpu.memref_slice %arg10[%dma_start3A_43, %dma_start3A_45, %dma_start3A_46] : memref<8x80x32xf32, #tpu.memory_space<vmem>> -> memref<1x80x32xf32, #tpu.memory_space<vmem>>
    %dma_start3A_48 = tpu.memref_squeeze %dma_start3A_47 : memref<1x80x32xf32, #tpu.memory_space<vmem>> -> memref<80x32xf32, #tpu.memory_space<vmem>>
    %dma_start3A_49 = arith.constant 160 : i32
    %dma_start3A_50 = tpu.memref_slice %arg8[%dma_start3A_49] : memref<10000xi32, #tpu.memory_space<vmem>> -> memref<80xi32, #tpu.memory_space<vmem>>
    %dma_start3A_51 = arith.constant 0 : i32
    %dma_start3A_52 = arith.constant 0 : i32
    %dma_start3A_53 = tpu.memref_slice %arg16[%dma_start3A_51, %dma_start3A_52] : memref<10000x32xf32, #tpu.memory_space<vmem_shared>> -> memref<10000x32xf32, #tpu.memory_space<vmem_shared>>
    %dma_start3A_54 = tpu.memref_slice %arg12[%dma_start3A_44] : memref<8x!tpu.dma_semaphore, #tpu.memory_space<semaphore_mem>> -> memref<1x!tpu.dma_semaphore, #tpu.memory_space<semaphore_mem>>
    %dma_start3A_55 = tpu.memref_squeeze %dma_start3A_54 : memref<1x!tpu.dma_semaphore, #tpu.memory_space<semaphore_mem>> -> memref<!tpu.dma_semaphore, #tpu.memory_space<semaphore_mem>>
    tpu.enqueue_indirect_dma source(%dma_start3A_53 : memref<10000x32xf32, #tpu.memory_space<vmem_shared>>) target(%dma_start3A_48 : memref<80x32xf32, #tpu.memory_space<vmem>>) offsets(%dma_start3A_50 : memref<80xi32, #tpu.memory_space<vmem>>) semaphore(%dma_start3A_55 : memref<!tpu.dma_semaphore, #tpu.memory_space<semaphore_mem>>)
    %dma_start3A_56 = arith.constant 3 : i32
    %dma_start3A_57 = arith.constant 3 : i32
    %dma_start3A_58 = arith.constant 0 : i32
    %dma_start3A_59 = arith.constant 0 : i32
    %dma_start3A_60 = tpu.memref_slice %arg10[%dma_start3A_56, %dma_start3A_58, %dma_start3A_59] : memref<8x80x32xf32, #tpu.memory_space<vmem>> -> memref<1x80x32xf32, #tpu.memory_space<vmem>>
    %dma_start3A_61 = tpu.memref_squeeze %dma_start3A_60 : memref<1x80x32xf32, #tpu.memory_space<vmem>> -> memref<80x32xf32, #tpu.memory_space<vmem>>
    %dma_start3A_62 = arith.constant 240 : i32
    %dma_start3A_63 = tpu.memref_slice %arg8[%dma_start3A_62] : memref<10000xi32, #tpu.memory_space<vmem>> -> memref<80xi32, #tpu.memory_space<vmem>>
    %dma_start3A_64 = arith.constant 0 : i32
    %dma_start3A_65 = arith.constant 0 : i32
    %dma_start3A_66 = tpu.memref_slice %arg16[%dma_start3A_64, %dma_start3A_65] : memref<10000x32xf32, #tpu.memory_space<vmem_shared>> -> memref<10000x32xf32, #tpu.memory_space<vmem_shared>>
    %dma_start3A_67 = tpu.memref_slice %arg12[%dma_start3A_57] : memref<8x!tpu.dma_semaphore, #tpu.memory_space<semaphore_mem>> -> memref<1x!tpu.dma_semaphore, #tpu.memory_space<semaphore_mem>>
    %dma_start3A_68 = tpu.memref_squeeze %dma_start3A_67 : memref<1x!tpu.dma_semaphore, #tpu.memory_space<semaphore_mem>> -> memref<!tpu.dma_semaphore, #tpu.memory_space<semaphore_mem>>
    tpu.enqueue_indirect_dma source(%dma_start3A_66 : memref<10000x32xf32, #tpu.memory_space<vmem_shared>>) target(%dma_start3A_61 : memref<80x32xf32, #tpu.memory_space<vmem>>) offsets(%dma_start3A_63 : memref<80xi32, #tpu.memory_space<vmem>>) semaphore(%dma_start3A_68 : memref<!tpu.dma_semaphore, #tpu.memory_space<semaphore_mem>>)
    %dma_start3A_69 = arith.constant 4 : i32
    %dma_start3A_70 = arith.constant 4 : i32
    %dma_start3A_71 = arith.constant 0 : i32
    %dma_start3A_72 = arith.constant 0 : i32
    %dma_start3A_73 = tpu.memref_slice %arg10[%dma_start3A_69, %dma_start3A_71, %dma_start3A_72] : memref<8x80x32xf32, #tpu.memory_space<vmem>> -> memref<1x80x32xf32, #tpu.memory_space<vmem>>
    %dma_start3A_74 = tpu.memref_squeeze %dma_start3A_73 : memref<1x80x32xf32, #tpu.memory_space<vmem>> -> memref<80x32xf32, #tpu.memory_space<vmem>>
    %dma_start3A_75 = arith.constant 320 : i32
    %dma_start3A_76 = tpu.memref_slice %arg8[%dma_start3A_75] : memref<10000xi32, #tpu.memory_space<vmem>> -> memref<80xi32, #tpu.memory_space<vmem>>
    %dma_start3A_77 = arith.constant 0 : i32
    %dma_start3A_78 = arith.constant 0 : i32
    %dma_start3A_79 = tpu.memref_slice %arg16[%dma_start3A_77, %dma_start3A_78] : memref<10000x32xf32, #tpu.memory_space<vmem_shared>> -> memref<10000x32xf32, #tpu.memory_space<vmem_shared>>
    %dma_start3A_80 = tpu.memref_slice %arg12[%dma_start3A_70] : memref<8x!tpu.dma_semaphore, #tpu.memory_space<semaphore_mem>> -> memref<1x!tpu.dma_semaphore, #tpu.memory_space<semaphore_mem>>
    %dma_start3A_81 = tpu.memref_squeeze %dma_start3A_80 : memref<1x!tpu.dma_semaphore, #tpu.memory_space<semaphore_mem>> -> memref<!tpu.dma_semaphore, #tpu.memory_space<semaphore_mem>>
    tpu.enqueue_indirect_dma source(%dma_start3A_79 : memref<10000x32xf32, #tpu.memory_space<vmem_shared>>) target(%dma_start3A_74 : memref<80x32xf32, #tpu.memory_space<vmem>>) offsets(%dma_start3A_76 : memref<80xi32, #tpu.memory_space<vmem>>) semaphore(%dma_start3A_81 : memref<!tpu.dma_semaphore, #tpu.memory_space<semaphore_mem>>)
    %dma_start3A_82 = arith.constant 5 : i32
    %dma_start3A_83 = arith.constant 5 : i32
    %dma_start3A_84 = arith.constant 0 : i32
    %dma_start3A_85 = arith.constant 0 : i32
    %dma_start3A_86 = tpu.memref_slice %arg10[%dma_start3A_82, %dma_start3A_84, %dma_start3A_85] : memref<8x80x32xf32, #tpu.memory_space<vmem>> -> memref<1x80x32xf32, #tpu.memory_space<vmem>>
    %dma_start3A_87 = tpu.memref_squeeze %dma_start3A_86 : memref<1x80x32xf32, #tpu.memory_space<vmem>> -> memref<80x32xf32, #tpu.memory_space<vmem>>
    %dma_start3A_88 = arith.constant 400 : i32
    %dma_start3A_89 = tpu.memref_slice %arg8[%dma_start3A_88] : memref<10000xi32, #tpu.memory_space<vmem>> -> memref<80xi32, #tpu.memory_space<vmem>>
    %dma_start3A_90 = arith.constant 0 : i32
    %dma_start3A_91 = arith.constant 0 : i32
    %dma_start3A_92 = tpu.memref_slice %arg16[%dma_start3A_90, %dma_start3A_91] : memref<10000x32xf32, #tpu.memory_space<vmem_shared>> -> memref<10000x32xf32, #tpu.memory_space<vmem_shared>>
    %dma_start3A_93 = tpu.memref_slice %arg12[%dma_start3A_83] : memref<8x!tpu.dma_semaphore, #tpu.memory_space<semaphore_mem>> -> memref<1x!tpu.dma_semaphore, #tpu.memory_space<semaphore_mem>>
    %dma_start3A_94 = tpu.memref_squeeze %dma_start3A_93 : memref<1x!tpu.dma_semaphore, #tpu.memory_space<semaphore_mem>> -> memref<!tpu.dma_semaphore, #tpu.memory_space<semaphore_mem>>
    tpu.enqueue_indirect_dma source(%dma_start3A_92 : memref<10000x32xf32, #tpu.memory_space<vmem_shared>>) target(%dma_start3A_87 : memref<80x32xf32, #tpu.memory_space<vmem>>) offsets(%dma_start3A_89 : memref<80xi32, #tpu.memory_space<vmem>>) semaphore(%dma_start3A_94 : memref<!tpu.dma_semaphore, #tpu.memory_space<semaphore_mem>>)
    %dma_start3A_95 = arith.constant 6 : i32
    %dma_start3A_96 = arith.constant 6 : i32
    %dma_start3A_97 = arith.constant 0 : i32
    %dma_start3A_98 = arith.constant 0 : i32
    %dma_start3A_99 = tpu.memref_slice %arg10[%dma_start3A_95, %dma_start3A_97, %dma_start3A_98] : memref<8x80x32xf32, #tpu.memory_space<vmem>> -> memref<1x80x32xf32, #tpu.memory_space<vmem>>
    %dma_start3A_100 = tpu.memref_squeeze %dma_start3A_99 : memref<1x80x32xf32, #tpu.memory_space<vmem>> -> memref<80x32xf32, #tpu.memory_space<vmem>>
    %dma_start3A_101 = arith.constant 480 : i32
    %dma_start3A_102 = tpu.memref_slice %arg8[%dma_start3A_101] : memref<10000xi32, #tpu.memory_space<vmem>> -> memref<80xi32, #tpu.memory_space<vmem>>
    %dma_start3A_103 = arith.constant 0 : i32
    %dma_start3A_104 = arith.constant 0 : i32
    %dma_start3A_105 = tpu.memref_slice %arg16[%dma_start3A_103, %dma_start3A_104] : memref<10000x32xf32, #tpu.memory_space<vmem_shared>> -> memref<10000x32xf32, #tpu.memory_space<vmem_shared>>
    %dma_start3A_106 = tpu.memref_slice %arg12[%dma_start3A_96] : memref<8x!tpu.dma_semaphore, #tpu.memory_space<semaphore_mem>> -> memref<1x!tpu.dma_semaphore, #tpu.memory_space<semaphore_mem>>
    %dma_start3A_107 = tpu.memref_squeeze %dma_start3A_106 : memref<1x!tpu.dma_semaphore, #tpu.memory_space<semaphore_mem>> -> memref<!tpu.dma_semaphore, #tpu.memory_space<semaphore_mem>>
    tpu.enqueue_indirect_dma source(%dma_start3A_105 : memref<10000x32xf32, #tpu.memory_space<vmem_shared>>) target(%dma_start3A_100 : memref<80x32xf32, #tpu.memory_space<vmem>>) offsets(%dma_start3A_102 : memref<80xi32, #tpu.memory_space<vmem>>) semaphore(%dma_start3A_107 : memref<!tpu.dma_semaphore, #tpu.memory_space<semaphore_mem>>)
    %dma_start3A_108 = arith.constant 7 : i32
    %dma_start3A_109 = arith.constant 7 : i32
    %dma_start3A_110 = arith.constant 0 : i32
    %dma_start3A_111 = arith.constant 0 : i32
    %dma_start3A_112 = tpu.memref_slice %arg10[%dma_start3A_108, %dma_start3A_110, %dma_start3A_111] : memref<8x80x32xf32, #tpu.memory_space<vmem>> -> memref<1x80x32xf32, #tpu.memory_space<vmem>>
    %dma_start3A_113 = tpu.memref_squeeze %dma_start3A_112 : memref<1x80x32xf32, #tpu.memory_space<vmem>> -> memref<80x32xf32, #tpu.memory_space<vmem>>
    %dma_start3A_114 = arith.constant 560 : i32
    %dma_start3A_115 = tpu.memref_slice %arg8[%dma_start3A_114] : memref<10000xi32, #tpu.memory_space<vmem>> -> memref<80xi32, #tpu.memory_space<vmem>>
    %dma_start3A_116 = arith.constant 0 : i32
    %dma_start3A_117 = arith.constant 0 : i32
    %dma_start3A_118 = tpu.memref_slice %arg16[%dma_start3A_116, %dma_start3A_117] : memref<10000x32xf32, #tpu.memory_space<vmem_shared>> -> memref<10000x32xf32, #tpu.memory_space<vmem_shared>>
    %dma_start3A_119 = tpu.memref_slice %arg12[%dma_start3A_109] : memref<8x!tpu.dma_semaphore, #tpu.memory_space<semaphore_mem>> -> memref<1x!tpu.dma_semaphore, #tpu.memory_space<semaphore_mem>>
    %dma_start3A_120 = tpu.memref_squeeze %dma_start3A_119 : memref<1x!tpu.dma_semaphore, #tpu.memory_space<semaphore_mem>> -> memref<!tpu.dma_semaphore, #tpu.memory_space<semaphore_mem>>
    tpu.enqueue_indirect_dma source(%dma_start3A_118 : memref<10000x32xf32, #tpu.memory_space<vmem_shared>>) target(%dma_start3A_113 : memref<80x32xf32, #tpu.memory_space<vmem>>) offsets(%dma_start3A_115 : memref<80xi32, #tpu.memory_space<vmem>>) semaphore(%dma_start3A_120 : memref<!tpu.dma_semaphore, #tpu.memory_space<semaphore_mem>>)
    %scan3A_121 = arith.constant 0 : i32
    %scan3A_122 = arith.constant 0 : i32
    %scan3A_123 = arith.constant 125 : i32
    %scan3A_124 = arith.addi %scan3A_122, %scan3A_123 : i32
    %scan3A_125 = arith.constant 1 : i32
    scf.for %scan3A_128 = %scan3A_122 to %scan3A_124 step %scan3A_125  : i32 {
      %rem3A = arith.constant 8 : i32
      %rem3A_129 = arith.remsi %scan3A_128, %rem3A : i32
      %mul3A_130 = arith.constant 80 : i32
      %mul3A_131 = arith.muli %scan3A_128, %mul3A_130 : i32
      %dma_wait3A = arith.constant 0 : i32
      %dma_wait3A_132 = arith.constant 0 : i32
      %dma_wait3A_133 = tpu.memref_slice %arg10[%rem3A_129, %dma_wait3A, %dma_wait3A_132] : memref<8x80x32xf32, #tpu.memory_space<vmem>> -> memref<1x80x32xf32, #tpu.memory_space<vmem>>
      %dma_wait3A_134 = tpu.memref_squeeze %dma_wait3A_133 : memref<1x80x32xf32, #tpu.memory_space<vmem>> -> memref<80x32xf32, #tpu.memory_space<vmem>>
      %dma_wait3A_135 = tpu.memref_slice %arg8[%mul3A_131] : memref<10000xi32, #tpu.memory_space<vmem>> -> memref<80xi32, #tpu.memory_space<vmem>>
      %dma_wait3A_136 = arith.constant 0 : i32
      %dma_wait3A_137 = arith.constant 0 : i32
      %dma_wait3A_138 = tpu.memref_slice %arg16[%dma_wait3A_136, %dma_wait3A_137] : memref<10000x32xf32, #tpu.memory_space<vmem_shared>> -> memref<10000x32xf32, #tpu.memory_space<vmem_shared>>
      %dma_wait3A_139 = tpu.memref_slice %arg12[%rem3A_129] : memref<8x!tpu.dma_semaphore, #tpu.memory_space<semaphore_mem>> -> memref<1x!tpu.dma_semaphore, #tpu.memory_space<semaphore_mem>>
      %dma_wait3A_140 = tpu.memref_squeeze %dma_wait3A_139 : memref<1x!tpu.dma_semaphore, #tpu.memory_space<semaphore_mem>> -> memref<!tpu.dma_semaphore, #tpu.memory_space<semaphore_mem>>
      tpu.wait_indirect_dma semaphore(%dma_wait3A_140 : memref<!tpu.dma_semaphore, #tpu.memory_space<semaphore_mem>>) src(%dma_wait3A_138 : memref<10000x32xf32, #tpu.memory_space<vmem_shared>>) dst(%dma_wait3A_134 : memref<80x32xf32, #tpu.memory_space<vmem>>)
      %dma_start3A_141 = arith.constant 0 : i32
      %dma_start3A_142 = arith.constant 0 : i32
      %dma_start3A_143 = tpu.memref_slice %arg10[%rem3A_129, %dma_start3A_141, %dma_start3A_142] : memref<8x80x32xf32, #tpu.memory_space<vmem>> -> memref<1x80x32xf32, #tpu.memory_space<vmem>>
      %dma_start3A_144 = tpu.memref_squeeze %dma_start3A_143 : memref<1x80x32xf32, #tpu.memory_space<vmem>> -> memref<80x32xf32, #tpu.memory_space<vmem>>
      %dma_start3A_145 = arith.constant 0 : i32
      %dma_start3A_146 = tpu.memref_slice %arg9[%scan3A_128, %dma_start3A_145] : memref<125x80xi32, #tpu.memory_space<vmem>> -> memref<1x80xi32, #tpu.memory_space<vmem>>
      %dma_start3A_147 = tpu.memref_squeeze %dma_start3A_146 : memref<1x80xi32, #tpu.memory_space<vmem>> -> memref<80xi32, #tpu.memory_space<vmem>>
      %dma_start3A_148 = arith.constant 0 : i32
      %dma_start3A_149 = arith.constant 0 : i32
      %dma_start3A_150 = tpu.memref_slice %arg17[%dma_start3A_148, %dma_start3A_149] : memref<10240x32xf32, #tpu.memory_space<vmem_shared>> -> memref<10240x32xf32, #tpu.memory_space<vmem_shared>>
      %dma_start3A_151 = tpu.memref_slice %arg13[%rem3A_129] : memref<8x!tpu.dma_semaphore, #tpu.memory_space<semaphore_mem>> -> memref<1x!tpu.dma_semaphore, #tpu.memory_space<semaphore_mem>>
      %dma_start3A_152 = tpu.memref_squeeze %dma_start3A_151 : memref<1x!tpu.dma_semaphore, #tpu.memory_space<semaphore_mem>> -> memref<!tpu.dma_semaphore, #tpu.memory_space<semaphore_mem>>
      tpu.enqueue_indirect_dma source(%dma_start3A_144 : memref<80x32xf32, #tpu.memory_space<vmem>>) target(%dma_start3A_150 : memref<10240x32xf32, #tpu.memory_space<vmem_shared>>) offsets(%dma_start3A_147 : memref<80xi32, #tpu.memory_space<vmem>>) semaphore(%dma_start3A_152 : memref<!tpu.dma_semaphore, #tpu.memory_space<semaphore_mem>>) {add = true}
      %dma_start3A_153 = arith.constant 0 : i32
      %dma_start3A_154 = tpu.memref_slice %arg9[%scan3A_128, %dma_start3A_153] : memref<125x80xi32, #tpu.memory_space<vmem>> -> memref<1x80xi32, #tpu.memory_space<vmem>>
      %dma_start3A_155 = tpu.memref_squeeze %dma_start3A_154 : memref<1x80xi32, #tpu.memory_space<vmem>> -> memref<80xi32, #tpu.memory_space<vmem>>
      %dma_start3A_156 = arith.constant 0 : i32
      %dma_start3A_157 = arith.constant 0 : i32
      %dma_start3A_158 = tpu.memref_slice %arg18[%dma_start3A_156, %dma_start3A_157] : memref<10240x32xf32, #tpu.memory_space<vmem_shared>> -> memref<10240x32xf32, #tpu.memory_space<vmem_shared>>
      %dma_start3A_159 = tpu.memref_slice %arg14[%rem3A_129] : memref<8x!tpu.dma_semaphore, #tpu.memory_space<semaphore_mem>> -> memref<1x!tpu.dma_semaphore, #tpu.memory_space<semaphore_mem>>
      %dma_start3A_160 = tpu.memref_squeeze %dma_start3A_159 : memref<1x!tpu.dma_semaphore, #tpu.memory_space<semaphore_mem>> -> memref<!tpu.dma_semaphore, #tpu.memory_space<semaphore_mem>>
      tpu.enqueue_indirect_dma source(%arg11 : memref<80x32xf32, #tpu.memory_space<vmem>>) target(%dma_start3A_158 : memref<10240x32xf32, #tpu.memory_space<vmem_shared>>) offsets(%dma_start3A_155 : memref<80xi32, #tpu.memory_space<vmem>>) semaphore(%dma_start3A_160 : memref<!tpu.dma_semaphore, #tpu.memory_space<semaphore_mem>>) {add = true}
      %dma_wait3A_161 = arith.constant 0 : i32
      %dma_wait3A_162 = arith.constant 0 : i32
      %dma_wait3A_163 = tpu.memref_slice %arg10[%rem3A_129, %dma_wait3A_161, %dma_wait3A_162] : memref<8x80x32xf32, #tpu.memory_space<vmem>> -> memref<1x80x32xf32, #tpu.memory_space<vmem>>
      %dma_wait3A_164 = tpu.memref_squeeze %dma_wait3A_163 : memref<1x80x32xf32, #tpu.memory_space<vmem>> -> memref<80x32xf32, #tpu.memory_space<vmem>>
      %dma_wait3A_165 = arith.constant 0 : i32
      %dma_wait3A_166 = tpu.memref_slice %arg9[%scan3A_128, %dma_wait3A_165] : memref<125x80xi32, #tpu.memory_space<vmem>> -> memref<1x80xi32, #tpu.memory_space<vmem>>
      %dma_wait3A_167 = tpu.memref_squeeze %dma_wait3A_166 : memref<1x80xi32, #tpu.memory_space<vmem>> -> memref<80xi32, #tpu.memory_space<vmem>>
      %dma_wait3A_168 = arith.constant 0 : i32
      %dma_wait3A_169 = arith.constant 0 : i32
      %dma_wait3A_170 = tpu.memref_slice %arg17[%dma_wait3A_168, %dma_wait3A_169] : memref<10240x32xf32, #tpu.memory_space<vmem_shared>> -> memref<10240x32xf32, #tpu.memory_space<vmem_shared>>
      %dma_wait3A_171 = tpu.memref_slice %arg13[%rem3A_129] : memref<8x!tpu.dma_semaphore, #tpu.memory_space<semaphore_mem>> -> memref<1x!tpu.dma_semaphore, #tpu.memory_space<semaphore_mem>>
      %dma_wait3A_172 = tpu.memref_squeeze %dma_wait3A_171 : memref<1x!tpu.dma_semaphore, #tpu.memory_space<semaphore_mem>> -> memref<!tpu.dma_semaphore, #tpu.memory_space<semaphore_mem>>
      tpu.wait_indirect_dma semaphore(%dma_wait3A_172 : memref<!tpu.dma_semaphore, #tpu.memory_space<semaphore_mem>>) src(%dma_wait3A_164 : memref<80x32xf32, #tpu.memory_space<vmem>>) dst(%dma_wait3A_170 : memref<10240x32xf32, #tpu.memory_space<vmem_shared>>)
      %dma_wait3A_173 = arith.constant 0 : i32
      %dma_wait3A_174 = tpu.memref_slice %arg9[%scan3A_128, %dma_wait3A_173] : memref<125x80xi32, #tpu.memory_space<vmem>> -> memref<1x80xi32, #tpu.memory_space<vmem>>
      %dma_wait3A_175 = tpu.memref_squeeze %dma_wait3A_174 : memref<1x80xi32, #tpu.memory_space<vmem>> -> memref<80xi32, #tpu.memory_space<vmem>>
      %dma_wait3A_176 = arith.constant 0 : i32
      %dma_wait3A_177 = arith.constant 0 : i32
      %dma_wait3A_178 = tpu.memref_slice %arg18[%dma_wait3A_176, %dma_wait3A_177] : memref<10240x32xf32, #tpu.memory_space<vmem_shared>> -> memref<10240x32xf32, #tpu.memory_space<vmem_shared>>
      %dma_wait3A_179 = tpu.memref_slice %arg14[%rem3A_129] : memref<8x!tpu.dma_semaphore, #tpu.memory_space<semaphore_mem>> -> memref<1x!tpu.dma_semaphore, #tpu.memory_space<semaphore_mem>>
      %dma_wait3A_180 = tpu.memref_squeeze %dma_wait3A_179 : memref<1x!tpu.dma_semaphore, #tpu.memory_space<semaphore_mem>> -> memref<!tpu.dma_semaphore, #tpu.memory_space<semaphore_mem>>
      tpu.wait_indirect_dma semaphore(%dma_wait3A_180 : memref<!tpu.dma_semaphore, #tpu.memory_space<semaphore_mem>>) src(%arg11 : memref<80x32xf32, #tpu.memory_space<vmem>>) dst(%dma_wait3A_178 : memref<10240x32xf32, #tpu.memory_space<vmem_shared>>)
      %add3A_181 = arith.constant 8 : i32
      %add3A_182 = arith.addi %scan3A_128, %add3A_181 : i32
      %lt3A = arith.constant 125 : i32
      %lt3A_183 = arith.cmpi slt, %add3A_182, %lt3A : i32
      %convert_element_type3A = arith.extui %lt3A_183 : i1 to i32
      %cond3A = arith.constant 0 : i32
      %cond3A_184 = arith.cmpi ne, %convert_element_type3A, %cond3A : i32
      scf.if %cond3A_184 {
        %mul3A_185 = arith.constant 80 : i32
        %mul3A_186 = arith.muli %add3A_182, %mul3A_185 : i32
        %dma_start3A_187 = arith.constant 0 : i32
        %dma_start3A_188 = arith.constant 0 : i32
        %dma_start3A_189 = tpu.memref_slice %arg10[%rem3A_129, %dma_start3A_187, %dma_start3A_188] : memref<8x80x32xf32, #tpu.memory_space<vmem>> -> memref<1x80x32xf32, #tpu.memory_space<vmem>>
        %dma_start3A_190 = tpu.memref_squeeze %dma_start3A_189 : memref<1x80x32xf32, #tpu.memory_space<vmem>> -> memref<80x32xf32, #tpu.memory_space<vmem>>
        %dma_start3A_191 = tpu.memref_slice %arg8[%mul3A_186] : memref<10000xi32, #tpu.memory_space<vmem>> -> memref<80xi32, #tpu.memory_space<vmem>>
        %dma_start3A_192 = arith.constant 0 : i32
        %dma_start3A_193 = arith.constant 0 : i32
        %dma_start3A_194 = tpu.memref_slice %arg16[%dma_start3A_192, %dma_start3A_193] : memref<10000x32xf32, #tpu.memory_space<vmem_shared>> -> memref<10000x32xf32, #tpu.memory_space<vmem_shared>>
        %dma_start3A_195 = tpu.memref_slice %arg12[%rem3A_129] : memref<8x!tpu.dma_semaphore, #tpu.memory_space<semaphore_mem>> -> memref<1x!tpu.dma_semaphore, #tpu.memory_space<semaphore_mem>>
        %dma_start3A_196 = tpu.memref_squeeze %dma_start3A_195 : memref<1x!tpu.dma_semaphore, #tpu.memory_space<semaphore_mem>> -> memref<!tpu.dma_semaphore, #tpu.memory_space<semaphore_mem>>
        tpu.enqueue_indirect_dma source(%dma_start3A_194 : memref<10000x32xf32, #tpu.memory_space<vmem_shared>>) target(%dma_start3A_190 : memref<80x32xf32, #tpu.memory_space<vmem>>) offsets(%dma_start3A_191 : memref<80xi32, #tpu.memory_space<vmem>>) semaphore(%dma_start3A_196 : memref<!tpu.dma_semaphore, #tpu.memory_space<semaphore_mem>>)
      } else {
      }
    }
    %scan3A_126 = arith.constant 125 : i32
    %barrier3A_127 = arith.constant 0 : index
    tpu.barrier barrier_id(%barrier3A_127)
    "tpu.region"() ({
      %run_scoped3A_128 = tpu.sem_alloc : memref<!tpu.dma_semaphore, #tpu.memory_space<semaphore_mem>>
      %dma_start3A_129 = arith.constant 0 : i32
      %dma_start3A_130 = tpu.memref_slice %arg6[%arg0, %mul3A_9, %dma_start3A_129] : memref<2x10240x32xf32, #tpu.memory_space<hbm>> -> memref<1x640x32xf32, #tpu.memory_space<hbm>>
      %dma_start3A_131 = tpu.memref_squeeze %dma_start3A_130 : memref<1x640x32xf32, #tpu.memory_space<hbm>> -> memref<640x32xf32, #tpu.memory_space<hbm>>
      %dma_start3A_132 = arith.constant 0 : i32
      %dma_start3A_133 = tpu.memref_slice %arg17[%mul3A_9, %dma_start3A_132] : memref<10240x32xf32, #tpu.memory_space<vmem_shared>> -> memref<640x32xf32, #tpu.memory_space<vmem_shared>>
      tpu.enqueue_dma source(%dma_start3A_133 : memref<640x32xf32, #tpu.memory_space<vmem_shared>>) target(%dma_start3A_131 : memref<640x32xf32, #tpu.memory_space<hbm>>) target_semaphore(%run_scoped3A_128 : memref<!tpu.dma_semaphore, #tpu.memory_space<semaphore_mem>>)
      %dma_wait3A = arith.constant 0 : i32
      %dma_wait3A_134 = tpu.memref_slice %arg6[%arg0, %mul3A_9, %dma_wait3A] : memref<2x10240x32xf32, #tpu.memory_space<hbm>> -> memref<1x640x32xf32, #tpu.memory_space<hbm>>
      %dma_wait3A_135 = tpu.memref_squeeze %dma_wait3A_134 : memref<1x640x32xf32, #tpu.memory_space<hbm>> -> memref<640x32xf32, #tpu.memory_space<hbm>>
      %dma_wait3A_136 = arith.constant 0 : i32
      %dma_wait3A_137 = tpu.memref_slice %arg17[%mul3A_9, %dma_wait3A_136] : memref<10240x32xf32, #tpu.memory_space<vmem_shared>> -> memref<640x32xf32, #tpu.memory_space<vmem_shared>>
      tpu.wait_dma2 semaphore(%run_scoped3A_128 : memref<!tpu.dma_semaphore, #tpu.memory_space<semaphore_mem>>) src(%dma_wait3A_137 : memref<640x32xf32, #tpu.memory_space<vmem_shared>>) dst(%dma_wait3A_135 : memref<640x32xf32, #tpu.memory_space<hbm>>)
      tpu.yield
    }) : () -> ()
    "tpu.region"() ({
      %run_scoped3A_128 = tpu.sem_alloc : memref<!tpu.dma_semaphore, #tpu.memory_space<semaphore_mem>>
      %dma_start3A_129 = arith.constant 0 : i32
      %dma_start3A_130 = tpu.memref_slice %arg7[%arg0, %mul3A_9, %dma_start3A_129] : memref<2x10240x32xf32, #tpu.memory_space<hbm>> -> memref<1x640x32xf32, #tpu.memory_space<hbm>>
      %dma_start3A_131 = tpu.memref_squeeze %dma_start3A_130 : memref<1x640x32xf32, #tpu.memory_space<hbm>> -> memref<640x32xf32, #tpu.memory_space<hbm>>
      %dma_start3A_132 = arith.constant 0 : i32
      %dma_start3A_133 = tpu.memref_slice %arg18[%mul3A_9, %dma_start3A_132] : memref<10240x32xf32, #tpu.memory_space<vmem_shared>> -> memref<640x32xf32, #tpu.memory_space<vmem_shared>>
      tpu.enqueue_dma source(%dma_start3A_133 : memref<640x32xf32, #tpu.memory_space<vmem_shared>>) target(%dma_start3A_131 : memref<640x32xf32, #tpu.memory_space<hbm>>) target_semaphore(%run_scoped3A_128 : memref<!tpu.dma_semaphore, #tpu.memory_space<semaphore_mem>>)
      %dma_wait3A = arith.constant 0 : i32
      %dma_wait3A_134 = tpu.memref_slice %arg7[%arg0, %mul3A_9, %dma_wait3A] : memref<2x10240x32xf32, #tpu.memory_space<hbm>> -> memref<1x640x32xf32, #tpu.memory_space<hbm>>
      %dma_wait3A_135 = tpu.memref_squeeze %dma_wait3A_134 : memref<1x640x32xf32, #tpu.memory_space<hbm>> -> memref<640x32xf32, #tpu.memory_space<hbm>>
      %dma_wait3A_136 = arith.constant 0 : i32
      %dma_wait3A_137 = tpu.memref_slice %arg18[%mul3A_9, %dma_wait3A_136] : memref<10240x32xf32, #tpu.memory_space<vmem_shared>> -> memref<640x32xf32, #tpu.memory_space<vmem_shared>>
      tpu.wait_dma2 semaphore(%run_scoped3A_128 : memref<!tpu.dma_semaphore, #tpu.memory_space<semaphore_mem>>) src(%dma_wait3A_137 : memref<640x32xf32, #tpu.memory_space<vmem_shared>>) dst(%dma_wait3A_135 : memref<640x32xf32, #tpu.memory_space<hbm>>)
      tpu.yield
    }) : () -> ()
    return
  }
}

module attributes {stable_mosaic.version = 14 : i64} {
  func.func @body(%arg0: i32, %arg1: memref<640x512xf32, #tpu.memory_space<vmem>>, %arg2: memref<512x128xf32, #tpu.memory_space<vmem>>, %arg3: memref<512x128xf32, #tpu.memory_space<vmem>>, %arg4: memref<640x128xf32, #tpu.memory_space<vmem>>, %arg5: memref<640x128xf32, #tpu.memory_space<vmem>>) attributes {dimension_semantics = [#tpu.dimension_semantics<arbitrary>], iteration_bounds = array<i64: 4>, scalar_prefetch = 0 : i64, scratch_operands = 0 : i64, tpu.core_type = #tpu.core_type<tc>, window_params = [{transform_indices = @transform_0, window_bounds = array<i64: 640, 512>}, {pipeline_mode = #tpu.pipeline_mode<synchronous>, transform_indices = @transform_1, window_bounds = array<i64: 512, 128>}, {pipeline_mode = #tpu.pipeline_mode<synchronous>, transform_indices = @transform_2, window_bounds = array<i64: 512, 128>}, {transform_indices = @transform_3, window_bounds = array<i64: 640, 128>}, {transform_indices = @transform_4, window_bounds = array<i64: 640, 128>}]} {
    %get3A = arith.constant 0 : index
    %get3A_0 = arith.constant 0 : index
    %get3A_1 = vector.load %arg1[%get3A, %get3A_0] : memref<640x512xf32, #tpu.memory_space<vmem>>, vector<640x512xf32>
    %get3A_2 = arith.constant 0 : index
    %get3A_3 = arith.constant 0 : index
    %get3A_4 = vector.load %arg2[%get3A_2, %get3A_3] : memref<512x128xf32, #tpu.memory_space<vmem>>, vector<512x128xf32>
    %dot_general3A = arith.constant dense<0.000000e+00> : vector<640x128xf32>
    %dot_general3A_5 = tpu.matmul %get3A_1, %get3A_4, %dot_general3A {dimension_numbers = #tpu.dot_dimension_numbers<[1], [0], [0], [1], [0, 0, 1, 1], [], []>, transpose_lhs_hint = false} : vector<640x512xf32>, vector<512x128xf32>, vector<640x128xf32> -> vector<640x128xf32>
    %swap3A = arith.constant 0 : index
    %swap3A_6 = arith.constant 0 : index
    %swap3A_7 = vector.load %arg4[%swap3A, %swap3A_6] : memref<640x128xf32, #tpu.memory_space<vmem>>, vector<640x128xf32>
    tpu.vector_store %arg4[%swap3A, %swap3A_6], %dot_general3A_5 {strides = array<i32>} : memref<640x128xf32, #tpu.memory_space<vmem>>, vector<640x128xf32>,
    %get3A_8 = arith.constant 0 : index
    %get3A_9 = arith.constant 0 : index
    %get3A_10 = vector.load %arg3[%get3A_8, %get3A_9] : memref<512x128xf32, #tpu.memory_space<vmem>>, vector<512x128xf32>
    %dot_general3A_11 = arith.constant dense<0.000000e+00> : vector<640x128xf32>
    %dot_general3A_12 = tpu.matmul %get3A_1, %get3A_10, %dot_general3A_11 {dimension_numbers = #tpu.dot_dimension_numbers<[1], [0], [0], [1], [0, 0, 1, 1], [], []>, transpose_lhs_hint = false} : vector<640x512xf32>, vector<512x128xf32>, vector<640x128xf32> -> vector<640x128xf32>
    %swap3A_13 = arith.constant 0 : index
    %swap3A_14 = arith.constant 0 : index
    %swap3A_15 = vector.load %arg5[%swap3A_13, %swap3A_14] : memref<640x128xf32, #tpu.memory_space<vmem>>, vector<640x128xf32>
    tpu.vector_store %arg5[%swap3A_13, %swap3A_14], %dot_general3A_12 {strides = array<i32>} : memref<640x128xf32, #tpu.memory_space<vmem>>, vector<640x128xf32>,
    return
  }
  func.func @transform_0(%arg0: i32) -> (i32, i32) {
    %c0_i32 = arith.constant 0 : i32
    %c0_i32_0 = arith.constant 0 : i32
    return %arg0, %c0_i32 : i32, i32
  }
  func.func @transform_1(%arg0: i32) -> (i32, i32) {
    %c0_i32 = arith.constant 0 : i32
    %c0_i32_0 = arith.constant 0 : i32
    %c0_i32_1 = arith.constant 0 : i32
    return %c0_i32, %c0_i32_0 : i32, i32
  }
  func.func @transform_2(%arg0: i32) -> (i32, i32) {
    %c0_i32 = arith.constant 0 : i32
    %c0_i32_0 = arith.constant 0 : i32
    %c0_i32_1 = arith.constant 0 : i32
    return %c0_i32, %c0_i32_0 : i32, i32
  }
  func.func @transform_3(%arg0: i32) -> (i32, i32) {
    %c0_i32 = arith.constant 0 : i32
    %c0_i32_0 = arith.constant 0 : i32
    return %arg0, %c0_i32 : i32, i32
  }
  func.func @transform_4(%arg0: i32) -> (i32, i32) {
    %c0_i32 = arith.constant 0 : i32
    %c0_i32_0 = arith.constant 0 : i32
    return %arg0, %c0_i32 : i32, i32
  }
}

module attributes {stable_mosaic.version = 14 : i64} {
  func.func @body(%arg0: i32, %arg1: memref<2x640x128xf32, #tpu.memory_space<vmem>>, %arg2: memref<2x640x128xf32, #tpu.memory_space<vmem>>, %arg3: memref<640x128xf32, #tpu.memory_space<vmem>>, %arg4: memref<1x128xf32, #tpu.memory_space<vmem>>, %arg5: memref<640x128xf32, #tpu.memory_space<vmem>>) attributes {dimension_semantics = [#tpu.dimension_semantics<arbitrary>], iteration_bounds = array<i64: 4>, scalar_prefetch = 0 : i64, scratch_operands = 0 : i64, tpu.core_type = #tpu.core_type<tc>, window_params = [{transform_indices = @transform_0, window_bounds = array<i64: 2, 640, 128>}, {transform_indices = @transform_1, window_bounds = array<i64: 2, 640, 128>}, {transform_indices = @transform_2, window_bounds = array<i64: 640, 128>}, {pipeline_mode = #tpu.pipeline_mode<synchronous>, transform_indices = @transform_3, window_bounds = array<i64: 1, 128>}, {transform_indices = @transform_4, window_bounds = array<i64: 640, 128>}]} {
    %get3A = arith.constant 0 : index
    %get3A_0 = arith.constant 0 : index
    %get3A_1 = arith.constant 0 : index
    %get3A_2 = vector.load %arg1[%get3A, %get3A_0, %get3A_1] : memref<2x640x128xf32, #tpu.memory_space<vmem>>, vector<2x640x128xf32>
    %get3A_3 = arith.constant 0 : index
    %get3A_4 = arith.constant 0 : index
    %get3A_5 = arith.constant 0 : index
    %get3A_6 = vector.load %arg2[%get3A_3, %get3A_4, %get3A_5] : memref<2x640x128xf32, #tpu.memory_space<vmem>>, vector<2x640x128xf32>
    %slice3A = vector.extract_strided_slice %get3A_2 {offsets = [0, 0, 0], sizes = [1, 640, 128], strides = [1, 1, 1]} : vector<2x640x128xf32> to vector<1x640x128xf32>
    %squeeze3A = vector.shape_cast %slice3A : vector<1x640x128xf32> to vector<640x128xf32>
    %slice3A_7 = vector.extract_strided_slice %get3A_2 {offsets = [1, 0, 0], sizes = [1, 640, 128], strides = [1, 1, 1]} : vector<2x640x128xf32> to vector<1x640x128xf32>
    %squeeze3A_8 = vector.shape_cast %slice3A_7 : vector<1x640x128xf32> to vector<640x128xf32>
    %add3A = arith.addf %squeeze3A, %squeeze3A_8 : vector<640x128xf32>
    %slice3A_9 = vector.extract_strided_slice %get3A_6 {offsets = [0, 0, 0], sizes = [1, 640, 128], strides = [1, 1, 1]} : vector<2x640x128xf32> to vector<1x640x128xf32>
    %squeeze3A_10 = vector.shape_cast %slice3A_9 : vector<1x640x128xf32> to vector<640x128xf32>
    %slice3A_11 = vector.extract_strided_slice %get3A_6 {offsets = [1, 0, 0], sizes = [1, 640, 128], strides = [1, 1, 1]} : vector<2x640x128xf32> to vector<1x640x128xf32>
    %squeeze3A_12 = vector.shape_cast %slice3A_11 : vector<1x640x128xf32> to vector<640x128xf32>
    %add3A_13 = arith.addf %squeeze3A_10, %squeeze3A_12 : vector<640x128xf32>
    %max3A = arith.constant 1.000000e+00 : f32
    %max3A_14 = vector.broadcast %max3A : f32 to vector<640x128xf32>
    %max3A_15 = arith.maximumf %add3A_13, %max3A_14 : vector<640x128xf32>
    %div3A = arith.divf %add3A, %max3A_15 : vector<640x128xf32>
    %get3A_16 = arith.constant 0 : index
    %get3A_17 = arith.constant 0 : index
    %get3A_18 = vector.load %arg4[%get3A_16, %get3A_17] : memref<1x128xf32, #tpu.memory_space<vmem>>, vector<1x128xf32>
    %add3A_19 = vector.broadcast %get3A_18 : vector<1x128xf32> to vector<640x128xf32>
    %add3A_20 = arith.addf %div3A, %add3A_19 : vector<640x128xf32>
    %get3A_21 = arith.constant 0 : index
    %get3A_22 = arith.constant 0 : index
    %get3A_23 = vector.load %arg3[%get3A_21, %get3A_22] : memref<640x128xf32, #tpu.memory_space<vmem>>, vector<640x128xf32>
    %add3A_24 = arith.addf %add3A_20, %get3A_23 : vector<640x128xf32>
    %max3A_25 = arith.constant 0.000000e+00 : f32
    %max3A_26 = vector.broadcast %max3A_25 : f32 to vector<640x128xf32>
    %max3A_27 = arith.maximumf %add3A_24, %max3A_26 : vector<640x128xf32>
    %swap3A = arith.constant 0 : index
    %swap3A_28 = arith.constant 0 : index
    %swap3A_29 = vector.load %arg5[%swap3A, %swap3A_28] : memref<640x128xf32, #tpu.memory_space<vmem>>, vector<640x128xf32>
    tpu.vector_store %arg5[%swap3A, %swap3A_28], %max3A_27 {strides = array<i32>} : memref<640x128xf32, #tpu.memory_space<vmem>>, vector<640x128xf32>,
    return
  }
  func.func @transform_0(%arg0: i32) -> (i32, i32, i32) {
    %c0_i32 = arith.constant 0 : i32
    %c0_i32_0 = arith.constant 0 : i32
    %c0_i32_1 = arith.constant 0 : i32
    return %c0_i32, %arg0, %c0_i32_0 : i32, i32, i32
  }
  func.func @transform_1(%arg0: i32) -> (i32, i32, i32) {
    %c0_i32 = arith.constant 0 : i32
    %c0_i32_0 = arith.constant 0 : i32
    %c0_i32_1 = arith.constant 0 : i32
    return %c0_i32, %arg0, %c0_i32_0 : i32, i32, i32
  }
  func.func @transform_2(%arg0: i32) -> (i32, i32) {
    %c0_i32 = arith.constant 0 : i32
    %c0_i32_0 = arith.constant 0 : i32
    return %arg0, %c0_i32 : i32, i32
  }
  func.func @transform_3(%arg0: i32) -> (i32, i32) {
    %c0_i32 = arith.constant 0 : i32
    %c0_i32_0 = arith.constant 0 : i32
    %c0_i32_1 = arith.constant 0 : i32
    return %c0_i32, %c0_i32_0 : i32, i32
  }
  func.func @transform_4(%arg0: i32) -> (i32, i32) {
    %c0_i32 = arith.constant 0 : i32
    %c0_i32_0 = arith.constant 0 : i32
    return %arg0, %c0_i32 : i32, i32
  }
}

module attributes {stable_mosaic.version = 14 : i64} {
  func.func @body(%arg0: i32, %arg1: memref<2x640x128xf32, #tpu.memory_space<vmem>>, %arg2: memref<2x640x128xf32, #tpu.memory_space<vmem>>, %arg3: memref<640x128xf32, #tpu.memory_space<vmem>>, %arg4: memref<256x256xf32, #tpu.memory_space<vmem>>, %arg5: memref<1x256xf32, #tpu.memory_space<vmem>>, %arg6: memref<640x256xf32, #tpu.memory_space<vmem>>) attributes {dimension_semantics = [#tpu.dimension_semantics<arbitrary>], iteration_bounds = array<i64: 4>, scalar_prefetch = 0 : i64, scratch_operands = 0 : i64, tpu.core_type = #tpu.core_type<tc>, window_params = [{transform_indices = @transform_0, window_bounds = array<i64: 2, 640, 128>}, {transform_indices = @transform_1, window_bounds = array<i64: 2, 640, 128>}, {transform_indices = @transform_2, window_bounds = array<i64: 640, 128>}, {pipeline_mode = #tpu.pipeline_mode<synchronous>, transform_indices = @transform_3, window_bounds = array<i64: 256, 256>}, {pipeline_mode = #tpu.pipeline_mode<synchronous>, transform_indices = @transform_4, window_bounds = array<i64: 1, 256>}, {transform_indices = @transform_5, window_bounds = array<i64: 640, 256>}]} {
    %get3A = arith.constant 0 : index
    %get3A_0 = arith.constant 0 : index
    %get3A_1 = arith.constant 0 : index
    %get3A_2 = vector.load %arg1[%get3A, %get3A_0, %get3A_1] : memref<2x640x128xf32, #tpu.memory_space<vmem>>, vector<2x640x128xf32>
    %get3A_3 = arith.constant 0 : index
    %get3A_4 = arith.constant 0 : index
    %get3A_5 = arith.constant 0 : index
    %get3A_6 = vector.load %arg2[%get3A_3, %get3A_4, %get3A_5] : memref<2x640x128xf32, #tpu.memory_space<vmem>>, vector<2x640x128xf32>
    %slice3A = vector.extract_strided_slice %get3A_2 {offsets = [0, 0, 0], sizes = [1, 640, 128], strides = [1, 1, 1]} : vector<2x640x128xf32> to vector<1x640x128xf32>
    %squeeze3A = vector.shape_cast %slice3A : vector<1x640x128xf32> to vector<640x128xf32>
    %slice3A_7 = vector.extract_strided_slice %get3A_2 {offsets = [1, 0, 0], sizes = [1, 640, 128], strides = [1, 1, 1]} : vector<2x640x128xf32> to vector<1x640x128xf32>
    %squeeze3A_8 = vector.shape_cast %slice3A_7 : vector<1x640x128xf32> to vector<640x128xf32>
    %add3A = arith.addf %squeeze3A, %squeeze3A_8 : vector<640x128xf32>
    %slice3A_9 = vector.extract_strided_slice %get3A_6 {offsets = [0, 0, 0], sizes = [1, 640, 128], strides = [1, 1, 1]} : vector<2x640x128xf32> to vector<1x640x128xf32>
    %squeeze3A_10 = vector.shape_cast %slice3A_9 : vector<1x640x128xf32> to vector<640x128xf32>
    %slice3A_11 = vector.extract_strided_slice %get3A_6 {offsets = [1, 0, 0], sizes = [1, 640, 128], strides = [1, 1, 1]} : vector<2x640x128xf32> to vector<1x640x128xf32>
    %squeeze3A_12 = vector.shape_cast %slice3A_11 : vector<1x640x128xf32> to vector<640x128xf32>
    %add3A_13 = arith.addf %squeeze3A_10, %squeeze3A_12 : vector<640x128xf32>
    %max3A = arith.constant 1.000000e+00 : f32
    %max3A_14 = vector.broadcast %max3A : f32 to vector<640x128xf32>
    %max3A_15 = arith.maximumf %add3A_13, %max3A_14 : vector<640x128xf32>
    %div3A = arith.divf %add3A, %max3A_15 : vector<640x128xf32>
    %get3A_16 = arith.constant 0 : index
    %get3A_17 = arith.constant 0 : index
    %get3A_18 = vector.load %arg3[%get3A_16, %get3A_17] : memref<640x128xf32, #tpu.memory_space<vmem>>, vector<640x128xf32>
    %concatenate3A = tpu.concatenate %div3A, %get3A_18 in 1 : vector<640x128xf32>, vector<640x128xf32> -> vector<640x256xf32>
    %get3A_19 = arith.constant 0 : index
    %get3A_20 = arith.constant 0 : index
    %get3A_21 = vector.load %arg4[%get3A_19, %get3A_20] : memref<256x256xf32, #tpu.memory_space<vmem>>, vector<256x256xf32>
    %dot_general3A = arith.constant dense<0.000000e+00> : vector<640x256xf32>
    %dot_general3A_22 = tpu.matmul %concatenate3A, %get3A_21, %dot_general3A {dimension_numbers = #tpu.dot_dimension_numbers<[1], [0], [0], [1], [0, 0, 1, 1], [], []>, transpose_lhs_hint = false} : vector<640x256xf32>, vector<256x256xf32>, vector<640x256xf32> -> vector<640x256xf32>
    %get3A_23 = arith.constant 0 : index
    %get3A_24 = arith.constant 0 : index
    %get3A_25 = vector.load %arg5[%get3A_23, %get3A_24] : memref<1x256xf32, #tpu.memory_space<vmem>>, vector<1x256xf32>
    %add3A_26 = vector.broadcast %get3A_25 : vector<1x256xf32> to vector<640x256xf32>
    %add3A_27 = arith.addf %dot_general3A_22, %add3A_26 : vector<640x256xf32>
    %swap3A = arith.constant 0 : index
    %swap3A_28 = arith.constant 0 : index
    %swap3A_29 = vector.load %arg6[%swap3A, %swap3A_28] : memref<640x256xf32, #tpu.memory_space<vmem>>, vector<640x256xf32>
    tpu.vector_store %arg6[%swap3A, %swap3A_28], %add3A_27 {strides = array<i32>} : memref<640x256xf32, #tpu.memory_space<vmem>>, vector<640x256xf32>,
    return
  }
  func.func @transform_0(%arg0: i32) -> (i32, i32, i32) {
    %c0_i32 = arith.constant 0 : i32
    %c0_i32_0 = arith.constant 0 : i32
    %c0_i32_1 = arith.constant 0 : i32
    return %c0_i32, %arg0, %c0_i32_0 : i32, i32, i32
  }
  func.func @transform_1(%arg0: i32) -> (i32, i32, i32) {
    %c0_i32 = arith.constant 0 : i32
    %c0_i32_0 = arith.constant 0 : i32
    %c0_i32_1 = arith.constant 0 : i32
    return %c0_i32, %arg0, %c0_i32_0 : i32, i32, i32
  }
  func.func @transform_2(%arg0: i32) -> (i32, i32) {
    %c0_i32 = arith.constant 0 : i32
    %c0_i32_0 = arith.constant 0 : i32
    return %arg0, %c0_i32 : i32, i32
  }
  func.func @transform_3(%arg0: i32) -> (i32, i32) {
    %c0_i32 = arith.constant 0 : i32
    %c0_i32_0 = arith.constant 0 : i32
    %c0_i32_1 = arith.constant 0 : i32
    return %c0_i32, %c0_i32_0 : i32, i32
  }
  func.func @transform_4(%arg0: i32) -> (i32, i32) {
    %c0_i32 = arith.constant 0 : i32
    %c0_i32_0 = arith.constant 0 : i32
    %c0_i32_1 = arith.constant 0 : i32
    return %c0_i32, %c0_i32_0 : i32, i32
  }
  func.func @transform_5(%arg0: i32) -> (i32, i32) {
    %c0_i32 = arith.constant 0 : i32
    %c0_i32_0 = arith.constant 0 : i32
    return %arg0, %c0_i32 : i32, i32
  }
}

</mosaic_0001>

<sc_bundles>
// kernel: kernel.10.cloned.1.call-start
scs
__scs_entry_jumppad:
0x0: {  	(pc) =	sbr.rel $0x88, $3  }
0x1: {  	(tag) =	ssettag $0x0;
	lr =	simm.s32 $0x1  }
0x2: {  	[smem:$0x3F99] =	sst lr;
	_ =	strace $0xD0000000  }
0x3: {  	_ = 	snop  }
0x4: {  	_ = 	snop  }
0x5: {  	_ = 	snop  }
0x6: {  	_ = 	snop  }
0x7: {  	_ = 	snop  }
__scs_overlays_trampoline_lowered:
0x8: {  	[smem:$0x3FA8] =	sst s0  }
0x9: {  	[smem:$0x3FA9] =	sst s1  }
0xa: {  	[smem:$0x3FAA] =	sst s2  }
0xb: {  	[smem:$0x3FAB] =	sst s3  }
0xc: {  	[smem:$0x3FAC] =	sst s4  }
0xd: {  	[smem:$0x3FAD] =	sst s5  }
0xe: {  	[smem:$0x3FAE] =	sst s6  }
0xf: {  	[smem:$0x3FAF] =	sst s7  }
0x10: {  	[smem:$0x3FB0] =	sst s8  }
0x11: {  	[smem:$0x3FB1] =	sst s9;
	s0 =	simm.s32 @!p0 $0x0  }
0x12: {  	s1 =	sld [smem:$0x3F97];
	s0 =	simm.s32 @p0 $0x1  }
0x13: {  	[smem:$0x3FB2] =	sst s0;
	s0 =	simm.s32 @!p1 $0x0  }
0x14: {  	s2 =	sld [smem:$0x3F96];
	s0 =	simm.s32 @p1 $0x1  }
0x15: {  	[smem:$0x3FB3] =	sst s0;
	s0 =	simm.s32 @!p2 $0x0  }
0x16: {  	s3 =	sld [smem:$0x3FDB];
	s0 =	simm.s32 @p2 $0x1  }
0x17: {  	s4 =	simm.s32 $0x1BF5;
	[smem:$0x3FB5] =	sst s0  }
0x18: {  	s0 =	sld [smem:$0x3F98];
	_ =	swait.ge [sflag:s4], $0x0  }
0x19: {  	s7 =	sld [smem:$0x3F99]  }
0x1a: {  	s8 =	sadd.s32 $0xFFFFE003, lr  }
0x1b: {  	s9 =	sadd.s32 $0xFFFFFEF7, lr;
	s5 =	simm.s32 $0xFFFFFFFF;
	p2 =	slt.u32 s8, $0xFFFFF086  }
0x1c: {  	p1 =	slt.u32 s9, $0xF7A;
	s5 =	simm.s32 @!p2 $0x0  }
0x1d: {  	s5 =	simm.s32 @p1 $0x1;
	p0 =	seq.s32 s7, s2  }
0x1e: {  	s7 =	smul.u32 @!p0 $0xF7A, s2;
	p2 =	seq.s32 @!p0 s5, $0x0  }
0x1f: {  	s9 =	smul.u32 $0xF7A, s1;
	s8 =	simm.s32 @!p0 $0x1BF5;
	p2 =	por !p2, p0  }
0x20: {  	[sflag:s8] =	ssyncset.s32 @!p0 $0xFFFFF086;
	s6 =	sadd.s32 @!p0 s3, s7;
	s7 =	simm.s32 @!p0 $0x108  }
0x21: {  	s3 =	sadd.s32 s3, s9;
	s6 =	sadd.s32 @!p0 $0x88, s6;
	s7 =	simm.s32 @p2 $0x1082  }
0x22: {  	[simem:s7], [sflag:s8] =	dma.local @!p0 [hbm:s6], $0xF7A  }
0x23: {  	s9 =	sor.u32 $0xD0000000, s2;
	s6 =	simm.s32 $0x108;
	_ =	swait.ge @!p0 [sflag:s8], $0x0  }
0x24: {  	s3 =	sadd.s32 $0x88, s3;
	s6 =	simm.s32 @!p1 $0x1082;
	[sflag:s4] =	ssyncset.s32 $0xFFFFF086  }
0x25: {  	[simem:s6], [sflag:s4] =	dma.local [hbm:s3], $0xF7A  }
0x26: {  	[smem:$0x3F99] =	sst s1;
	(tag) =	ssettag s2;
	_ =	strace s9  }
0x27: {  	s1 =	sld [smem:$0x3FA9]  }
0x28: {  	s2 =	sld [smem:$0x3FAA]  }
0x29: {  	s4 =	sld [smem:$0x3FAC]  }
0x2a: {  	p0 =	seq.s32 s5, $0x0;
	s5 =	sld [smem:$0x3FAD]  }
0x2b: {  	s6 =	sld [smem:$0x3FAE]  }
0x2c: {  	s7 =	sld [smem:$0x3FAF]  }
0x2d: {  	s3 =	simm.s32 $0x108;
	s8 =	sld [smem:$0x3FB0]  }
0x2e: {  	s3 =	simm.s32 @!p0 $0x1082;
	s9 =	sld [smem:$0x3FB1]  }
0x2f: {  	lr =	sadd.s32 s0, s3;
	s0 =	sld [smem:$0x3FA8]  }
0x30: {  	s3 =	sld [smem:$0x3FAB]  }
0x31: {  	[smem:$0x3FB4] =	sst s10  }
0x32: {  	s10 =	sld [smem:$0x3FB2];
	_ =	sdelay $0x3  }
0x33: {  	p0 =	seq.s32 s10, $0x1;
	s10 =	sld [smem:$0x3FB4];
	_ =	sdelay $0x3  }
0x34: {  	[smem:$0x3FB4] =	sst s10  }
0x35: {  	s10 =	sld [smem:$0x3FB3];
	_ =	sdelay $0x3  }
0x36: {  	p1 =	seq.s32 s10, $0x1;
	s10 =	sld [smem:$0x3FB4];
	_ =	sdelay $0x3  }
0x37: {  	[smem:$0x3FB4] =	sst s10  }
0x38: {  	s10 =	sld [smem:$0x3FB5]  }
0x39: {  	_ = 	snop;
	(pc) =	sbr.ind lr, $3  }
0x3a: {  	_ = 	snop  }
0x3b: {  	_ = 	snop  }
0x3c: {  	p2 =	seq.s32 s10, $0x1;
	s10 =	sld [smem:$0x3FB4]  }
0x3d: {  	_ =	shalt  }
0x3e: {  	_ =	shalt  }
0x3f: {  	_ =	shalt  }
0x40: {  	_ =	shalt  }
0x41: {  	_ =	shalt  }
0x42: {  	_ =	shalt  }
0x43: {  	_ =	shalt  }
0x44: {  	_ =	shalt  }
0x45: {  	_ =	shalt  }
0x46: {  	_ =	shalt  }
0x47: {  	_ =	shalt  }
0x48: {  	_ =	shalt  }
0x49: {  	_ =	shalt  }
0x4a: {  	_ =	shalt  }
0x4b: {  	_ =	shalt  }
0x4c: {  	_ =	shalt  }
0x4d: {  	_ =	shalt  }
0x4e: {  	_ =	shalt  }
0x4f: {  	_ =	shalt  }
0x50: {  	_ =	shalt  }
0x51: {  	_ =	shalt  }
0x52: {  	_ =	shalt  }
0x53: {  	_ =	shalt  }
0x54: {  	_ =	shalt  }
0x55: {  	_ =	shalt  }
0x56: {  	_ =	shalt  }
0x57: {  	_ =	shalt  }
0x58: {  	_ =	shalt  }
0x59: {  	_ =	shalt  }
0x5a: {  	_ =	shalt  }
0x5b: {  	_ =	shalt  }
0x5c: {  	_ =	shalt  }
0x5d: {  	_ =	shalt  }
0x5e: {  	_ =	shalt  }
0x5f: {  	_ =	shalt  }
0x60: {  	_ =	shalt  }
0x61: {  	_ =	shalt  }
0x62: {  	_ =	shalt  }
0x63: {  	_ =	shalt  }
0x64: {  	_ =	shalt  }
0x65: {  	_ =	shalt  }
0x66: {  	_ =	shalt  }
0x67: {  	_ =	shalt  }
0x68: {  	_ =	shalt  }
0x69: {  	_ =	shalt  }
0x6a: {  	_ =	shalt  }
0x6b: {  	_ =	shalt  }
0x6c: {  	_ =	shalt  }
0x6d: {  	_ =	shalt  }
0x6e: {  	_ =	shalt  }
0x6f: {  	_ =	shalt  }
0x70: {  	_ =	shalt  }
0x71: {  	_ =	shalt  }
0x72: {  	_ =	shalt  }
0x73: {  	_ =	shalt  }
0x74: {  	_ =	shalt  }
0x75: {  	_ =	shalt  }
0x76: {  	_ =	shalt  }
0x77: {  	_ =	shalt  }
0x78: {  	_ =	shalt  }
0x79: {  	_ =	shalt  }
0x7a: {  	_ =	shalt  }
0x7b: {  	_ =	shalt  }
0x7c: {  	_ =	shalt  }
0x7d: {  	_ =	shalt  }
0x7e: {  	_ =	shalt  }
0x7f: {  	_ =	shalt  }
0x80: {  	_ =	shalt  }
0x81: {  	_ =	shalt  }
0x82: {  	_ =	shalt  }
0x83: {  	_ =	shalt  }
0x84: {  	_ =	shalt  }
0x85: {  	_ =	shalt  }
0x86: {  	_ =	shalt  }
0x87: {  	_ =	shalt  }
.Lfunc_end0:
.L_simem_size_0:
called_computation.1_lowered:
.L_overlay_start_0:
0x88: {  	s2 =	sld [smem:$0x3FD9]  }
0x89: {  	s3 =	sld [smem:$0x3FFE];
	_ =	sdelay $0x1  }
0x8a: {  	s1 =	srdreg.scid  }
0x8b: {  	s0 =	sand.u32 $0x1, s1  }
0x8c: {  	s17 =	sshll.u32 s0, $0xA;
	s2 =	sadd.s32 s3, s2  }
0x8d: {  	s2 =	sadd.s32 s2, s17  }
0x8e: {  	[smem:$0x3FC0] =	sst s2  }
0x8f: {  	_ = 	snop  }
0x90: {  	s2 =	sld [smem:$0x3FD0];
	(tm) =	ssettm $0x1  }
0x91: {  	s18 =	sld [smem:$0x3FFB];
	_ =	sdelay $0x3  }
0x92: {  	_ =	strace s18  }
0x93: {  	s3 =	sld [smem:$0x3FFC];
	_ =	sdelay $0x3  }
0x94: {  	_ =	strace s3  }
0x95: {  	s3 =	sld [smem:$0x3FFD];
	_ =	sdelay $0x3  }
0x96: {  	_ =	strace s3  }
0x97: {  	_ =	strace $0x8FFFFFFF  }
0x98: {  	s19 =	sld [smem:$0x3FDB];
	_ =	sdelay $0x1  }
0x99: {  	s4 =	simm.s32 $_scs_section_size  }
0x9a: {  	s5 =	simm.s32 $_size__tile_overlayer_lowered;
	s6 =	simm.s32 $_tile_overlayer_lowered  }
0x9b: {  	s22 =	simm.s32 $0x1BFF;
	s21 =	sshll.u32 s6, $0x1;
	s3 =	sadd.s32 s4, s19  }
0x9c: {  	s7 =	simm.s32 $0x0;
	s20 =	sshll.u32 s5, $0x1;
	s5 =	sadd.s32 s21, s3  }
0x9d: {  	[timem:s7], [sflag:s22] =	dma.local [hbm:s5], s20  }
0x9e: {  	_ =	swait.ge [sflag:s22], s20  }
0x9f: {  	s4 =	ssub.s32 $0x0, s20;
	[sflag:s22] =	ssyncset.done $0x0  }
0xa0: {  	[sflag:s22] =	ssyncadd.s32 s4;
	_ =	sdelay $0x1  }
0xa1: {  	s23 =	simm.s32 $0x1B8B  }
0xa2: {  	_ =	swait.ge [sflag:s23], $0x1  }
0xa3: {  	[sflag:s23] =	ssyncset.done $0x0  }
0xa4: {  	s25 =	simm.s32 $0x1B8E;
	s24 =	sld [smem:$0x3FFE];
	[sflag:s23] =	ssyncadd.s32 $0xFFFFFFFF  }
0xa5: {  	s26 =	simm.s32 $execute0_lowered;
	[smem:$0x3FD2] =	sst s25  }
0xa6: {  	s5 =	sshll.u32 s26, $0x1;
	_ =	strace $0x80000049;
	[dreg:$0x1] =	wrdreg $0xFFFFFFFF  }
0xa7: {  	s28 =	simm.s32 $_size_execute0_lowered;
	s3 =	sadd.s32 s3, s5;
	[dreg:$0x0] =	wrdreg $0x0  }
0xa8: {  	s5 =	sshll.u32 s28, $0x1;
	[dreg:$0x2] =	wrdreg s3  }
0xa9: {  	[dreg:$0x3] =	wrdreg s5  }
0xaa: {  	[dreg:$0x4] =	wrdreg $0xC0  }
0xab: {  	_ =	task [dreg:s7], $0x5FFFF  }
0xac: {  	[dreg:$0x1] =	wrdreg $0xFFFFFFFF  }
0xad: {  	[dreg:$0x0] =	wrdreg $0x60  }
0xae: {  	[dreg:$0x2] =	wrdreg s24  }
0xaf: {  	[dreg:$0x3] =	wrdreg s2  }
0xb0: {  	[dreg:$0x4] =	wrdreg $0xEC400  }
0xb1: {  	[dreg:$0x5] =	wrdreg $0x9E200  }
0xb2: {  	[dreg:$0x6] =	wrdreg $0x9  }
0xb3: {  	_ =	task.clear_ibuf [dreg:s7], $0x7FFFF;
	_ =	strace $0x90000049  }
0xb4: {  	s29 =	simm.s32 $0x9;
	_ =	strace $0x8000004B  }
0xb5: {  	_ =	swait.ge [sflag:s29], $0x1  }
0xb6: {  	[sflag:s29] =	ssyncadd.s32 $0xFFFFFFFF  }
0xb7: {  	_ =	strace $0x9000004B  }
0xb8: {  	_ =	sfence  }
0xb9: {  	s30 =	sld [smem:$0x0];
	_ =	sdelay $0x2  }
0xba: {  	s31 =	sshll.u32 s1, $0xD;
	s1 =	sshrl.u32 s1, $0x2  }
0xbb: {  	s3 =	sand.u32 $0x4000, s31;
	s1 =	sadd.s32 s1, s30  }
0xbc: {  	s0 =	sor.u32 s3, s0;
	s1 =	sshll.u32 s1, $0x11  }
0xbd: {  	s0 =	sor.u32 s1, s0  }
0xbe: {  	s0 =	sadd.s32 $0x8F2B, s0  }
0xbf: {  	[sflag:s0] =	ssyncadd.remote.s32 $0x1  }
0xc0: {  	_ =	sfence.sel $0xFFFF  }
0xc1: {  	[dreg:$0x0] =	wrdreg $0xFFFFFFFF;
	(pc) =	sbr.abs _section_cstart, $3  }
0xc2: {  	[dreg:$0x1] =	wrdreg $0xFFFFFFFF  }
0xc3: {  	_ =	task.clear_ibuf [dreg:s7], $0x2FFFF;
	_ =	strace $0x9FFFFFFF  }
0xc4: {  	(tm) =	ssettm $0x7FFFFFFF  }
0xc5: {  	_ =	shalt  }
tec
execute0_lowered:
.L_overlay_start_1:
0x0: {  	(tag) =	ssettag $0x1  }
0x1: {  	s0 =	rddreg [dreg:$0x0]  }
0x2: {  	s1 =	rddreg [dreg:$0x1]  }
0x3: {  	s2 =	rddreg [dreg:$0x2]  }
0x4: {  	s3 =	rddreg [dreg:$0x3];
	s4 =	simm.s32 $0x0;
	s15 =	stileid.u32  }
0x5: {  	s5 =	srdreg.scid;
	s16 =	simm.s32 $0x50;
	s28 =	simm.s32 $0x1E0  }
0x6: {  	s29 =	simm.s32 $0x8A20;
	s30 =	simm.s32 $0x230;
	s7 =	smul.u32 $0x4E20, s15  }
0x7: {  	s31 =	simm.s32 $0x9420;
	[smem:$0x7FF] =	sst s4;
	s6 =	smul.u32 $0x5000, s15  }
0x8: {  	s5 =	sand.u32 $0x1, s5;
	s11 =	sshll.u32 s15, $0x1;
	s26 =	sshll.u32 s15, $0x6  }
0x9: {  	s15 =	simm.s32 $0x11;
	_ =	strace $0x8000004A;
	s10 =	smul.u32 $0x50000, s5  }
0xa: {  	s11 =	sor.u32 s5, s11;
	s12 =	ssub.s32 $0x2, s5;
	s14 =	smul.u32 $0x2710, s5  }
0xb: {  	s8 =	sshrl.u32 s7, $0x3;
	s9 =	sshrl.u32 s6, $0x3;
	s11 =	smul.u32 $0x2710, s11  }
0xc: {  	s13 =	sshrl.u32 s12, $0x1;
	s21 =	sadd.s32 s6, s2;
	s23 =	sadd.s32 s7, s3  }
0xd: {  	s8 =	sadd.s32 s8, s0;
	s9 =	sadd.s32 s9, s0;
	s10 =	sadd.s32 s6, s10  }
0xe: {  	s19 =	ssub.s32 s12, s13;
	s22 =	sadd.s32 s14, s7;
	s12 =	sor.u32 $0x1C12, s26  }
0xf: {  	s13 =	sshrl.u32 s21, $0x3;
	s14 =	sshrl.u32 s23, $0x3;
	s10 =	sshrl.u32 s10, $0x3  }
0x10: {  	s20 =	sshrl.u32 s11, $0x3;
	s6 =	sadd.s32 $0xC800, s9;
	s24 =	sadd.s32 $0x4E200, s22  }
0x11: {  	s7 =	sadd.s32 $0x2A00, s8;
	s9 =	smax.u32 s19, $0x1;
	s11 =	simm.s32 $0x12  }
0x12: {  	s0 =	sadd.s32 s10, s0;
	s5 =	sadd.s32 s1, s20;
	s25 =	sshrl.u32 s24, $0x3  }
0x13: {  	s8 =	sadd.s32 $0x16A00, s0;
	s10 =	sadd.s32 s25, s1;
	s0 =	simm.s32 $0x0  }
.LBB2_1:
0x14: {  	[tilespmem:s4], [sflag:$0x12] =	stream.linear.gather [hbm4b:s5+s4], $0x2710, $0x38;
	[tilespmem:$0x13C40] =	vst v63  }
0x15: {  	_ =	swait.ge [sflag:s11], $0x2710  }
0x16: {  	s1 =	simm.s32 $0x2710;
	s17 =	simm.s32 $0xA;
	[sflag:s11] =	ssyncset.done $0x0  }
0x17: {  	s19 =	sadd.s32 $0x0, s10;
	s18 =	simm.s32 $0x2760;
	[sflag:s11] =	ssyncadd.s32 $0xFFFFD8F0  }
.LBB2_2:
0x18: {  	[tilespmem:s1], [sflag:$0x11] =	stream.linear.gather [hbm4b:s19+s4], $0x50, $0x38;
	[tilespmem:$0x13C40] =	vst v63  }
0x19: {  	s19 =	smov.u32 s17;
	s1 =	smov.u32 s18;
	p0 =	sne.s32 s17, $0x4D8  }
.Ltmp0:
0x1a: {  	s17 =	sadd.s32 $0xA, s17;
	(pc) =	sbr.rel @p0 .LBB2_2-.Ltmp0, $2  }
0x1b: {  	_ =	sdelay $0x2  }
0x1c: {  	s18 =	sadd.s32 $0x50, s18;
	s19 =	sadd.s32 s19, s10  }
0x1d: {  	[tilespmem:s1], [sflag:$0x11] =	stream.linear.gather [hbm4b:s19+s4], $0x50, $0x38;
	[tilespmem:$0x13C40] =	vst v63  }
0x1e: {  	[spmem:s13], [sflag:s12] =	dma.local [hbm:s6], $0xA00  }
0x1f: {  	_ =	swait.ge [sflag:s11], $0xA00  }
0x20: {  	[sflag:s11] =	ssyncset.done $0x0  }
0x21: {  	[sflag:s11] =	ssyncadd.s32 $0xFFFFF600  }
0x22: {  	[spmem:s14], [sflag:s12] =	dma.local [hbm:s7], $0x9C4  }
0x23: {  	_ =	swait.ge [sflag:s11], $0x9C4  }
0x24: {  	[sflag:s11] =	ssyncset.done $0x0  }
0x25: {  	[sflag:s11] =	ssyncadd.s32 $0xFFFFF63C  }
0x26: {  	_ =	swait.ge [sflag:s15], $0x50  }
0x27: {  	s1 =	simm.s32 $0x7C;
	[sflag:s15] =	ssyncset.done $0x0  }
.LBB2_4:
0x28: {  	p0 =	sne.s32 s1, $0x1;
	s1 =	sadd.s32 $0xFFFFFFFF, s1;
	[sflag:s15] =	ssyncadd.s32 $0xFFFFFFB0  }
.Ltmp1:
0x29: {  	(pc) =	sbr.rel @p0 .LBB2_4-.Ltmp1, $3  }
0x2a: {  	_ =	sdelay $0x1  }
0x2b: {  	_ =	swait.ge [sflag:s15], $0x50  }
0x2c: {  	[sflag:s15] =	ssyncset.done $0x0  }
0x2d: {  	[sflag:s15] =	ssyncadd.s32 $0xFFFFFFB0  }
0x2e: {  	s1 =	simm.s32 $0x0;
	s17 =	simm.s32 $0x4E20;
	[bflag:$0x0] =	sbarrier.arrive $0xFFFF  }
0x2f: {  	[tilespmem:s17], [sflag:$0x1] =	stream.indirect.gather [spmem:s3], $0x20, s1, s16, $0xb8;
	[tilespmem:$0x13C40] =	vst v63  }
0x30: {  	s18 =	simm.s32 $0x5820  }
0x31: {  	[tilespmem:s18], [sflag:$0x2] =	stream.indirect.gather [spmem:s3], $0x20, s16, s16, $0xb8;
	[tilespmem:$0x13C40] =	vst v63  }
0x32: {  	s19 =	simm.s32 $0xA0;
	s18 =	simm.s32 $0x6220  }
0x33: {  	[tilespmem:s18], [sflag:$0x3] =	stream.indirect.gather [spmem:s3], $0x20, s19, s16, $0xb8;
	[tilespmem:$0x13C40] =	vst v63  }
0x34: {  	s20 =	simm.s32 $0xF0;
	s21 =	simm.s32 $0x6C20  }
0x35: {  	[tilespmem:s21], [sflag:$0x4] =	stream.indirect.gather [spmem:s3], $0x20, s20, s16, $0xb8;
	[tilespmem:$0x13C40] =	vst v63  }
0x36: {  	s22 =	simm.s32 $0x140;
	s23 =	simm.s32 $0x7620  }
0x37: {  	[tilespmem:s23], [sflag:$0x5] =	stream.indirect.gather [spmem:s3], $0x20, s22, s16, $0xb8;
	[tilespmem:$0x13C40] =	vst v63  }
0x38: {  	s24 =	simm.s32 $0x190;
	s25 =	simm.s32 $0x8020  }
0x39: {  	[tilespmem:s25], [sflag:$0x6] =	stream.indirect.gather [spmem:s3], $0x20, s24, s16, $0xb8;
	[tilespmem:$0x13C40] =	vst v63  }
0x3a: {  	s26 =	sand.u32 $0x7, s1  }
0x3b: {  	[tilespmem:s29], [sflag:$0x7] =	stream.indirect.gather [spmem:s3], $0x20, s28, s16, $0xb8;
	[tilespmem:$0x13C40] =	vst v63  }
0x3c: {  	s19 =	sadd.s32 $0x1, s26;
	s20 =	smul.u32 $0x2800, s26  }
0x3d: {  	[tilespmem:s31], [sflag:$0x8] =	stream.indirect.gather [spmem:s3], $0x20, s30, s16, $0xb8;
	[tilespmem:$0x13C40] =	vst v63  }
0x3e: {  	p0 =	por $0x0, $0x0;
	s1 =	simm.s32 $0x1;
	_ =	swait.ge [sflag:s19], $0xA00  }
0x3f: {  	s18 =	sadd.s32 $0x9, s26;
	s20 =	sshrl.u32 s20, $0x2;
	[sflag:s19] =	ssyncset.done $0x0  }
0x40: {  	s21 =	simm.s32 $0x2710;
	s23 =	sadd.s32 $0x4E20, s20;
	[sflag:s19] =	ssyncadd.s32 $0xFFFFF600  }
0x41: {  	[spmem:s2] =	stream.indirect.scatter.add.f32 [tilespmem:s23], [sflag:s18], $0x20, s21, s16, $0xb8;
	[tilespmem:$0x13C40] =	vst v63  }
0x42: {  	s17 =	simm.s32 $0x280;
	s22 =	sand.u32 $0x7, s1;
	_ =	swait.ge [sflag:s18], $0xA00  }
0x43: {  	s20 =	simm.s32 $0x2760;
	s24 =	simm.s32 @!p0 $0x50;
	[sflag:s18] =	ssyncset.done $0x0  }
0x44: {  	s21 =	simm.s32 $0x2;
	[sflag:s18] =	ssyncadd.s32 $0xFFFFF600;
	s18 =	simm.s32 $0x2D0  }
.LBB2_6:
0x45: {  	[tilespmem:s23], [sflag:s19] =	stream.indirect.gather @!p0 [spmem:s3], $0x20, s17, s24, $0xb8;
	[tilespmem:$0x13C40] =	vst v63  }
0x46: {  	s24 =	smov.u32 s1;
	s1 =	smov.u32 s21;
	s17 =	smov.u32 s18  }
0x47: {  	s25 =	sand.u32 $0x7, s21;
	s23 =	smul.u32 $0x2800, s22;
	s19 =	sadd.s32 $0x1, s22  }
0x48: {  	s21 =	sadd.s32 $0x1, s21;
	s26 =	sadd.s32 $0x9, s22;
	_ =	swait.ge [sflag:s19], $0xA00  }
0x49: {  	p1 =	sne.s32 s21, $0x7D;
	s23 =	sshrl.u32 s23, $0x2;
	[sflag:s19] =	ssyncset.done $0x0  }
.Ltmp2:
0x4a: {  	s23 =	sadd.s32 $0x4E20, s23;
	[sflag:s19] =	ssyncadd.s32 $0xFFFFF600;
	(pc) =	sbr.rel @p1 .LBB2_6-.Ltmp2, $4  }
0x4b: {  	[spmem:s2] =	stream.indirect.scatter.add.f32 [tilespmem:s23], [sflag:s26], $0x20, s20, s16, $0xb8;
	[tilespmem:$0x13C40] =	vst v63  }
0x4c: {  	s22 =	smov.u32 s25;
	_ =	swait.ge [sflag:s26], $0xA00  }
0x4d: {  	p0 =	sgt.u32 s24, $0x74;
	s20 =	sadd.s32 $0x50, s20;
	[sflag:s26] =	ssyncset.done $0x0  }
0x4e: {  	s18 =	sadd.s32 $0x50, s18;
	s24 =	simm.s32 @!p0 $0x50;
	[sflag:s26] =	ssyncadd.s32 $0xFFFFF600  }
0x4f: {  	[tilespmem:s23], [sflag:s19] =	stream.indirect.gather @!p0 [spmem:s3], $0x20, s17, s24, $0xb8;
	[tilespmem:$0x13C40] =	vst v63  }
0x50: {  	s26 =	smul.u32 $0x2800, s22;
	s19 =	sadd.s32 $0x1, s22  }
0x51: {  	_ =	swait.ge [sflag:s19], $0xA00  }
0x52: {  	s17 =	sshrl.u32 s26, $0x2;
	[sflag:s19] =	ssyncset.done $0x0  }
0x53: {  	s21 =	sadd.s32 $0x9, s22;
	s17 =	sadd.s32 $0x4E20, s17;
	[sflag:s19] =	ssyncadd.s32 $0xFFFFF600  }
0x54: {  	[spmem:s2] =	stream.indirect.scatter.add.f32 [tilespmem:s17], [sflag:s21], $0x20, s20, s16, $0xb8;
	[tilespmem:$0x13C40] =	vst v63  }
0x55: {  	_ =	swait.ge [sflag:s21], $0xA00  }
0x56: {  	p0 =	sgt.u32 s1, $0x74;
	[sflag:s21] =	ssyncset.done $0x0  }
0x57: {  	s0 =	sadd.s32 $0x1, s0;
	s1 =	simm.s32 @!p0 $0x50;
	[sflag:s21] =	ssyncadd.s32 $0xFFFFF600  }
0x58: {  	[tilespmem:s17], [sflag:s19] =	stream.indirect.gather @!p0 [spmem:s3], $0x20, s18, s1, $0xb8;
	[tilespmem:$0x13C40] =	vst v63  }
0x59: {  	p0 =	sne.s32 s0, s9  }
.Ltmp3:
0x5a: {  	[bflag:$0x0] =	sbarrier.arrive $0xFFFF;
	(pc) =	sbr.rel @p0 .LBB2_1-.Ltmp3, $4  }
0x5b: {  	[hbm:s8], [sflag:s12] =	dma.local [spmem:s13], $0xA00  }
0x5c: {  	_ =	swait.ge [sflag:s11], $0xA00  }
0x5d: {  	[sflag:s11] =	ssyncset.done $0x0  }
0x5e: {  	[sflag:s11] =	ssyncadd.s32 $0xFFFFF600  }
0x5f: {  	_ =	sfence.sel $0x180000  }
0x60: {  	[bflag:$0x0] =	sbarrier.arrive $0xFFFF  }
0x61: {  	_ =	strace $0x9000004A  }
0x62: {  	s0 =	stileid.u32;
	[bflag:$0x2] =	sbarrier.arrive $0xFFFF  }
0x63: {  	p0 =	sne.s32 s0, $0x0;
	s0 =	rddreg [dreg:$0x4]  }
0x64: {  	s0 =	sadd.s32 @!p0 $0x100000, s0  }
0x65: {  	[sflag:s0] =	ssyncadd.tile.s32 @!p0 $0x1;
	_ =	shalt  }
.Lfunc_end2:
_tile_overlayer_lowered:
.L_overlay_start_2:
0x66: {  	(tag) =	ssettag $0x2  }
0x67: {  	s0 =	rddreg [dreg:$0x0];
	s2 =	stileid.u32  }
0x68: {  	s1 =	rddreg [dreg:$0x1];
	p0 =	sne.s32 s2, $0x0  }
0x69: {  	s3 =	rddreg [dreg:$0x2];
	[bflag:$0x3] =	sbarrier.arrive $0xFFFF;
	s2 =	simm.s32 @!p0 $0x1C12  }
0x6a: {  	[timem:s3], [sflag:s2] =	dma.local @!p0 [hbm:s0], s1  }
0x6b: {  	s0 =	simm.s32 @!p0 $0x12  }
0x6c: {  	_ =	swait.ge @!p0 [sflag:s0], s1  }
0x6d: {  	s1 =	ssub.s32 @!p0 $0x0, s1;
	[sflag:s0] =	ssyncset.done @!p0 $0x0  }
0x6e: {  	[sflag:s0] =	ssyncadd.s32 @!p0 s1  }
0x6f: {  	[bflag:$0x3] =	sbarrier.arrive $0xFFFF  }
0x70: {  	_ =	shalt  }

// kernel: kernel.7.cloned.1.call-start
scs
__scs_entry_jumppad:
0x0: {  	(pc) =	sbr.rel $0x88, $3  }
0x1: {  	(tag) =	ssettag $0x0;
	lr =	simm.s32 $0x1  }
0x2: {  	[smem:$0x3F99] =	sst lr;
	_ =	strace $0xD0000000  }
0x3: {  	_ = 	snop  }
0x4: {  	_ = 	snop  }
0x5: {  	_ = 	snop  }
0x6: {  	_ = 	snop  }
0x7: {  	_ = 	snop  }
__scs_overlays_trampoline_lowered:
0x8: {  	[smem:$0x3FA8] =	sst s0  }
0x9: {  	[smem:$0x3FA9] =	sst s1  }
0xa: {  	[smem:$0x3FAA] =	sst s2  }
0xb: {  	[smem:$0x3FAB] =	sst s3  }
0xc: {  	[smem:$0x3FAC] =	sst s4  }
0xd: {  	[smem:$0x3FAD] =	sst s5  }
0xe: {  	[smem:$0x3FAE] =	sst s6  }
0xf: {  	[smem:$0x3FAF] =	sst s7  }
0x10: {  	[smem:$0x3FB0] =	sst s8  }
0x11: {  	[smem:$0x3FB1] =	sst s9;
	s0 =	simm.s32 @!p0 $0x0  }
0x12: {  	s1 =	sld [smem:$0x3F97];
	s0 =	simm.s32 @p0 $0x1  }
0x13: {  	[smem:$0x3FB2] =	sst s0;
	s0 =	simm.s32 @!p1 $0x0  }
0x14: {  	s2 =	sld [smem:$0x3F96];
	s0 =	simm.s32 @p1 $0x1  }
0x15: {  	[smem:$0x3FB3] =	sst s0;
	s0 =	simm.s32 @!p2 $0x0  }
0x16: {  	s3 =	sld [smem:$0x3FDB];
	s0 =	simm.s32 @p2 $0x1  }
0x17: {  	s4 =	simm.s32 $0x1BF5;
	[smem:$0x3FB5] =	sst s0  }
0x18: {  	s0 =	sld [smem:$0x3F98];
	_ =	swait.ge [sflag:s4], $0x0  }
0x19: {  	s7 =	sld [smem:$0x3F99]  }
0x1a: {  	s8 =	sadd.s32 $0xFFFFE003, lr  }
0x1b: {  	s9 =	sadd.s32 $0xFFFFFEF7, lr;
	s5 =	simm.s32 $0xFFFFFFFF;
	p2 =	slt.u32 s8, $0xFFFFF086  }
0x1c: {  	p1 =	slt.u32 s9, $0xF7A;
	s5 =	simm.s32 @!p2 $0x0  }
0x1d: {  	s5 =	simm.s32 @p1 $0x1;
	p0 =	seq.s32 s7, s2  }
0x1e: {  	s7 =	smul.u32 @!p0 $0xF7A, s2;
	p2 =	seq.s32 @!p0 s5, $0x0  }
0x1f: {  	s9 =	smul.u32 $0xF7A, s1;
	s8 =	simm.s32 @!p0 $0x1BF5;
	p2 =	por !p2, p0  }
0x20: {  	[sflag:s8] =	ssyncset.s32 @!p0 $0xFFFFF086;
	s6 =	sadd.s32 @!p0 s3, s7;
	s7 =	simm.s32 @!p0 $0x108  }
0x21: {  	s3 =	sadd.s32 s3, s9;
	s6 =	sadd.s32 @!p0 $0x88, s6;
	s7 =	simm.s32 @p2 $0x1082  }
0x22: {  	[simem:s7], [sflag:s8] =	dma.local @!p0 [hbm:s6], $0xF7A  }
0x23: {  	s9 =	sor.u32 $0xD0000000, s2;
	s6 =	simm.s32 $0x108;
	_ =	swait.ge @!p0 [sflag:s8], $0x0  }
0x24: {  	s3 =	sadd.s32 $0x88, s3;
	s6 =	simm.s32 @!p1 $0x1082;
	[sflag:s4] =	ssyncset.s32 $0xFFFFF086  }
0x25: {  	[simem:s6], [sflag:s4] =	dma.local [hbm:s3], $0xF7A  }
0x26: {  	[smem:$0x3F99] =	sst s1;
	(tag) =	ssettag s2;
	_ =	strace s9  }
0x27: {  	s1 =	sld [smem:$0x3FA9]  }
0x28: {  	s2 =	sld [smem:$0x3FAA]  }
0x29: {  	s4 =	sld [smem:$0x3FAC]  }
0x2a: {  	p0 =	seq.s32 s5, $0x0;
	s5 =	sld [smem:$0x3FAD]  }
0x2b: {  	s6 =	sld [smem:$0x3FAE]  }
0x2c: {  	s7 =	sld [smem:$0x3FAF]  }
0x2d: {  	s3 =	simm.s32 $0x108;
	s8 =	sld [smem:$0x3FB0]  }
0x2e: {  	s3 =	simm.s32 @!p0 $0x1082;
	s9 =	sld [smem:$0x3FB1]  }
0x2f: {  	lr =	sadd.s32 s0, s3;
	s0 =	sld [smem:$0x3FA8]  }
0x30: {  	s3 =	sld [smem:$0x3FAB]  }
0x31: {  	[smem:$0x3FB4] =	sst s10  }
0x32: {  	s10 =	sld [smem:$0x3FB2];
	_ =	sdelay $0x3  }
0x33: {  	p0 =	seq.s32 s10, $0x1;
	s10 =	sld [smem:$0x3FB4];
	_ =	sdelay $0x3  }
0x34: {  	[smem:$0x3FB4] =	sst s10  }
0x35: {  	s10 =	sld [smem:$0x3FB3];
	_ =	sdelay $0x3  }
0x36: {  	p1 =	seq.s32 s10, $0x1;
	s10 =	sld [smem:$0x3FB4];
	_ =	sdelay $0x3  }
0x37: {  	[smem:$0x3FB4] =	sst s10  }
0x38: {  	s10 =	sld [smem:$0x3FB5]  }
0x39: {  	_ = 	snop;
	(pc) =	sbr.ind lr, $3  }
0x3a: {  	_ = 	snop  }
0x3b: {  	_ = 	snop  }
0x3c: {  	p2 =	seq.s32 s10, $0x1;
	s10 =	sld [smem:$0x3FB4]  }
0x3d: {  	_ =	shalt  }
0x3e: {  	_ =	shalt  }
0x3f: {  	_ =	shalt  }
0x40: {  	_ =	shalt  }
0x41: {  	_ =	shalt  }
0x42: {  	_ =	shalt  }
0x43: {  	_ =	shalt  }
0x44: {  	_ =	shalt  }
0x45: {  	_ =	shalt  }
0x46: {  	_ =	shalt  }
0x47: {  	_ =	shalt  }
0x48: {  	_ =	shalt  }
0x49: {  	_ =	shalt  }
0x4a: {  	_ =	shalt  }
0x4b: {  	_ =	shalt  }
0x4c: {  	_ =	shalt  }
0x4d: {  	_ =	shalt  }
0x4e: {  	_ =	shalt  }
0x4f: {  	_ =	shalt  }
0x50: {  	_ =	shalt  }
0x51: {  	_ =	shalt  }
0x52: {  	_ =	shalt  }
0x53: {  	_ =	shalt  }
0x54: {  	_ =	shalt  }
0x55: {  	_ =	shalt  }
0x56: {  	_ =	shalt  }
0x57: {  	_ =	shalt  }
0x58: {  	_ =	shalt  }
0x59: {  	_ =	shalt  }
0x5a: {  	_ =	shalt  }
0x5b: {  	_ =	shalt  }
0x5c: {  	_ =	shalt  }
0x5d: {  	_ =	shalt  }
0x5e: {  	_ =	shalt  }
0x5f: {  	_ =	shalt  }
0x60: {  	_ =	shalt  }
0x61: {  	_ =	shalt  }
0x62: {  	_ =	shalt  }
0x63: {  	_ =	shalt  }
0x64: {  	_ =	shalt  }
0x65: {  	_ =	shalt  }
0x66: {  	_ =	shalt  }
0x67: {  	_ =	shalt  }
0x68: {  	_ =	shalt  }
0x69: {  	_ =	shalt  }
0x6a: {  	_ =	shalt  }
0x6b: {  	_ =	shalt  }
0x6c: {  	_ =	shalt  }
0x6d: {  	_ =	shalt  }
0x6e: {  	_ =	shalt  }
0x6f: {  	_ =	shalt  }
0x70: {  	_ =	shalt  }
0x71: {  	_ =	shalt  }
0x72: {  	_ =	shalt  }
0x73: {  	_ =	shalt  }
0x74: {  	_ =	shalt  }
0x75: {  	_ =	shalt  }
0x76: {  	_ =	shalt  }
0x77: {  	_ =	shalt  }
0x78: {  	_ =	shalt  }
0x79: {  	_ =	shalt  }
0x7a: {  	_ =	shalt  }
0x7b: {  	_ =	shalt  }
0x7c: {  	_ =	shalt  }
0x7d: {  	_ =	shalt  }
0x7e: {  	_ =	shalt  }
0x7f: {  	_ =	shalt  }
0x80: {  	_ =	shalt  }
0x81: {  	_ =	shalt  }
0x82: {  	_ =	shalt  }
0x83: {  	_ =	shalt  }
0x84: {  	_ =	shalt  }
0x85: {  	_ =	shalt  }
0x86: {  	_ =	shalt  }
0x87: {  	_ =	shalt  }
.Lfunc_end0:
.L_simem_size_0:
called_computation_lowered:
.L_overlay_start_0:
0x88: {  	s2 =	sld [smem:$0x3FD9]  }
0x89: {  	s3 =	sld [smem:$0x3FFE];
	_ =	sdelay $0x1  }
0x8a: {  	s1 =	srdreg.scid  }
0x8b: {  	s0 =	sand.u32 $0x1, s1  }
0x8c: {  	s17 =	sshll.u32 s0, $0xA;
	s2 =	sadd.s32 s3, s2  }
0x8d: {  	s2 =	sadd.s32 s2, s17  }
0x8e: {  	[smem:$0x3FC0] =	sst s2  }
0x8f: {  	_ = 	snop  }
0x90: {  	s2 =	sld [smem:$0x3FD0];
	(tm) =	ssettm $0x1  }
0x91: {  	s18 =	sld [smem:$0x3FFB];
	_ =	sdelay $0x3  }
0x92: {  	_ =	strace s18  }
0x93: {  	s3 =	sld [smem:$0x3FFC];
	_ =	sdelay $0x3  }
0x94: {  	_ =	strace s3  }
0x95: {  	s3 =	sld [smem:$0x3FFD];
	_ =	sdelay $0x3  }
0x96: {  	_ =	strace s3  }
0x97: {  	_ =	strace $0x8FFFFFFF  }
0x98: {  	s19 =	sld [smem:$0x3FDB];
	_ =	sdelay $0x1  }
0x99: {  	s4 =	simm.s32 $_scs_section_size  }
0x9a: {  	s5 =	simm.s32 $_size__tile_overlayer_lowered;
	s6 =	simm.s32 $_tile_overlayer_lowered  }
0x9b: {  	s22 =	simm.s32 $0x1BFF;
	s21 =	sshll.u32 s6, $0x1;
	s3 =	sadd.s32 s4, s19  }
0x9c: {  	s7 =	simm.s32 $0x0;
	s20 =	sshll.u32 s5, $0x1;
	s5 =	sadd.s32 s21, s3  }
0x9d: {  	[timem:s7], [sflag:s22] =	dma.local [hbm:s5], s20  }
0x9e: {  	_ =	swait.ge [sflag:s22], s20  }
0x9f: {  	s4 =	ssub.s32 $0x0, s20;
	[sflag:s22] =	ssyncset.done $0x0  }
0xa0: {  	[sflag:s22] =	ssyncadd.s32 s4;
	_ =	sdelay $0x1  }
0xa1: {  	s23 =	simm.s32 $0x1B8B  }
0xa2: {  	_ =	swait.ge [sflag:s23], $0x1  }
0xa3: {  	[sflag:s23] =	ssyncset.done $0x0  }
0xa4: {  	s25 =	simm.s32 $0x1B8E;
	s24 =	sld [smem:$0x3FFE];
	[sflag:s23] =	ssyncadd.s32 $0xFFFFFFFF  }
0xa5: {  	s26 =	simm.s32 $execute0_lowered;
	[smem:$0x3FD2] =	sst s25  }
0xa6: {  	s5 =	sshll.u32 s26, $0x1;
	_ =	strace $0x80000046;
	[dreg:$0x1] =	wrdreg $0xFFFFFFFF  }
0xa7: {  	s28 =	simm.s32 $_size_execute0_lowered;
	s3 =	sadd.s32 s3, s5;
	[dreg:$0x0] =	wrdreg $0x0  }
0xa8: {  	s5 =	sshll.u32 s28, $0x1;
	[dreg:$0x2] =	wrdreg s3  }
0xa9: {  	[dreg:$0x3] =	wrdreg s5  }
0xaa: {  	[dreg:$0x4] =	wrdreg $0xC0  }
0xab: {  	_ =	task [dreg:s7], $0x5FFFF  }
0xac: {  	[dreg:$0x1] =	wrdreg $0xFFFFFFFF  }
0xad: {  	[dreg:$0x0] =	wrdreg $0x60  }
0xae: {  	[dreg:$0x2] =	wrdreg s24  }
0xaf: {  	[dreg:$0x3] =	wrdreg s2  }
0xb0: {  	[dreg:$0x4] =	wrdreg $0xF6400  }
0xb1: {  	[dreg:$0x5] =	wrdreg $0x146400  }
0xb2: {  	[dreg:$0x6] =	wrdreg $0xA8200  }
0xb3: {  	[dreg:$0x7] =	wrdreg $0x9  }
0xb4: {  	_ =	task.clear_ibuf [dreg:s7], $0x8FFFF;
	_ =	strace $0x90000046  }
0xb5: {  	s29 =	simm.s32 $0x9;
	_ =	strace $0x80000048  }
0xb6: {  	_ =	swait.ge [sflag:s29], $0x1  }
0xb7: {  	[sflag:s29] =	ssyncadd.s32 $0xFFFFFFFF  }
0xb8: {  	_ =	strace $0x90000048  }
0xb9: {  	_ =	sfence  }
0xba: {  	s30 =	sld [smem:$0x0];
	_ =	sdelay $0x2  }
0xbb: {  	s31 =	sshll.u32 s1, $0xD;
	s1 =	sshrl.u32 s1, $0x2  }
0xbc: {  	s3 =	sand.u32 $0x4000, s31;
	s1 =	sadd.s32 s1, s30  }
0xbd: {  	s0 =	sor.u32 s3, s0;
	s1 =	sshll.u32 s1, $0x11  }
0xbe: {  	s0 =	sor.u32 s1, s0  }
0xbf: {  	s0 =	sadd.s32 $0x8F2B, s0  }
0xc0: {  	[sflag:s0] =	ssyncadd.remote.s32 $0x1  }
0xc1: {  	_ =	sfence.sel $0xFFFF  }
0xc2: {  	[dreg:$0x0] =	wrdreg $0xFFFFFFFF;
	(pc) =	sbr.abs _section_cstart, $3  }
0xc3: {  	[dreg:$0x1] =	wrdreg $0xFFFFFFFF  }
0xc4: {  	_ =	task.clear_ibuf [dreg:s7], $0x2FFFF;
	_ =	strace $0x9FFFFFFF  }
0xc5: {  	(tm) =	ssettm $0x7FFFFFFF  }
tec
execute0_lowered:
.L_overlay_start_1:
0x0: {  	(tag) =	ssettag $0x1  }
0x1: {  	s0 =	rddreg [dreg:$0x0]  }
0x2: {  	s1 =	rddreg [dreg:$0x1]  }
0x3: {  	s2 =	rddreg [dreg:$0x2]  }
0x4: {  	s3 =	rddreg [dreg:$0x3]  }
0x5: {  	s4 =	rddreg [dreg:$0x4];
	s12 =	stileid.u32  }
0x6: {  	s5 =	simm.s32 $0x0;
	s7 =	srdreg.scid;
	s16 =	simm.s32 $0x1A  }
0x7: {  	s17 =	simm.s32 $0x9E20;
	s19 =	simm.s32 $0x19;
	s6 =	smul.u32 $0x4E20, s12  }
0x8: {  	[smem:$0x7FF] =	sst s5;
	s10 =	smul.u32 $0x5000, s12;
	s7 =	sand.u32 $0x1, s7  }
0x9: {  	s12 =	sshll.u32 s12, $0x1;
	s14 =	sadd.s32 $0x16800, s0;
	_ =	strace $0x80000047  }
0xa: {  	s9 =	smul.u32 $0x50000, s7;
	s22 =	sor.u32 s7, s12;
	s23 =	ssub.s32 $0x2, s7  }
0xb: {  	[dreg:$0x6] =	wrdreg s14;
	s7 =	smul.u32 $0x2710, s7;
	s8 =	sshrl.u32 s6, $0x3  }
0xc: {  	s20 =	sshrl.u32 s10, $0x3;
	s24 =	sshrl.u32 s23, $0x1;
	s28 =	sadd.s32 s10, s2  }
0xd: {  	s29 =	sadd.s32 s10, s3;
	s18 =	sadd.s32 s6, s4;
	s11 =	sadd.s32 s8, s0  }
0xe: {  	s13 =	sadd.s32 s20, s0;
	s21 =	sadd.s32 s10, s9;
	[dreg:$0x8] =	wrdreg s28  }
0xf: {  	s9 =	smul.u32 $0x2710, s22;
	s25 =	ssub.s32 s23, s24;
	[dreg:$0x9] =	wrdreg s29  }
0x10: {  	s6 =	sadd.s32 s7, s6;
	s18 =	sshrl.u32 s18, $0x3;
	s20 =	simm.s32 $0x50  }
0x11: {  	s23 =	simm.s32 $0x0;
	s8 =	sshrl.u32 s21, $0x3;
	s30 =	sadd.s32 $0x2A00, s11  }
0x12: {  	s6 =	sadd.s32 $0x4E200, s6;
	s14 =	smax.u32 s25, $0x1;
	s0 =	sadd.s32 s8, s0  }
0x13: {  	s26 =	sshrl.u32 s9, $0x3;
	s9 =	sadd.s32 $0xC800, s13;
	[dreg:$0xa] =	wrdreg s30  }
0x14: {  	s31 =	sshrl.u32 s6, $0x3;
	s8 =	sadd.s32 s1, s26;
	s12 =	sadd.s32 $0x16A00, s0  }
0x15: {  	s13 =	sadd.s32 $0x2AA00, s0;
	s15 =	sadd.s32 s31, s1;
	[dreg:$0x7] =	wrdreg s8  }
.LBB2_1:
0x16: {  	s0 =	rddreg [dreg:$0x7]  }
0x17: {  	[tilespmem:s5], [sflag:$0x1A] =	stream.linear.gather [hbm4b:s0+s5], $0x2710, $0x38;
	[tilespmem:$0x19640] =	vst v63  }
0x18: {  	_ =	swait.ge [sflag:s16], $0x2710  }
0x19: {  	s1 =	simm.s32 $0xA;
	s7 =	sadd.s32 $0x0, s15;
	[sflag:s16] =	ssyncset.done $0x0  }
0x1a: {  	s6 =	simm.s32 $0x2760;
	s0 =	simm.s32 $0x2710;
	[sflag:s16] =	ssyncadd.s32 $0xFFFFD8F0  }
.LBB2_2:
0x1b: {  	[tilespmem:s0], [sflag:$0x19] =	stream.linear.gather [hbm4b:s7+s5], $0x50, $0x38;
	[tilespmem:$0x19640] =	vst v63  }
0x1c: {  	s7 =	smov.u32 s1;
	s0 =	smov.u32 s6;
	p0 =	sne.s32 s1, $0x4D8  }
.Ltmp0:
0x1d: {  	s1 =	sadd.s32 $0xA, s1;
	(pc) =	sbr.rel @p0 .LBB2_2-.Ltmp0, $2  }
0x1e: {  	_ =	sdelay $0x2  }
0x1f: {  	s6 =	sadd.s32 $0x50, s6;
	s7 =	sadd.s32 s7, s15  }
0x20: {  	[tilespmem:s0], [sflag:$0x19] =	stream.linear.gather [hbm4b:s7+s5], $0x50, $0x38;
	[tilespmem:$0x19640] =	vst v63  }
0x21: {  	s26 =	rddreg [dreg:$0x6]  }
0x22: {  	[tilespmem:s17], [sflag:$0x1A] =	stream.linear.gather [hbm4b:s26+s5], $0xA00, $0x38;
	[tilespmem:$0x19640] =	vst v63  }
0x23: {  	s28 =	stileid.u32;
	_ =	swait.ge [sflag:s16], $0xA00  }
0x24: {  	s0 =	sshll.u32 s28, $0x6;
	[sflag:s16] =	ssyncset.done $0x0;
	s29 =	rddreg [dreg:$0x8]  }
0x25: {  	s24 =	sor.u32 $0x1C1A, s0;
	[sflag:s16] =	ssyncadd.s32 $0xFFFFF600;
	s25 =	sshrl.u32 s29, $0x3  }
0x26: {  	[spmem:s25], [sflag:s24] =	dma.local [hbm:s9], $0xA00  }
0x27: {  	_ =	swait.ge [sflag:s16], $0xA00  }
0x28: {  	[sflag:s16] =	ssyncset.done $0x0;
	s30 =	rddreg [dreg:$0x9]  }
0x29: {  	[sflag:s16] =	ssyncadd.s32 $0xFFFFF600;
	s26 =	sshrl.u32 s30, $0x3  }
0x2a: {  	[spmem:s26], [sflag:s24] =	dma.local [hbm:s9], $0xA00  }
0x2b: {  	_ =	swait.ge [sflag:s16], $0xA00  }
0x2c: {  	[sflag:s16] =	ssyncset.done $0x0  }
0x2d: {  	s31 =	rddreg [dreg:$0xa];
	[sflag:s16] =	ssyncadd.s32 $0xFFFFF600  }
0x2e: {  	[spmem:s18], [sflag:s24] =	dma.local [hbm:s31], $0x9C4  }
0x2f: {  	_ =	swait.ge [sflag:s16], $0x9C4  }
0x30: {  	[sflag:s16] =	ssyncset.done $0x0  }
0x31: {  	[sflag:s16] =	ssyncadd.s32 $0xFFFFF63C  }
0x32: {  	_ =	swait.ge [sflag:s19], $0x50  }
0x33: {  	s0 =	simm.s32 $0x7C;
	[sflag:s19] =	ssyncset.done $0x0  }
.LBB2_4:
0x34: {  	p0 =	sne.s32 s0, $0x1;
	s0 =	sadd.s32 $0xFFFFFFFF, s0;
	[sflag:s19] =	ssyncadd.s32 $0xFFFFFFB0  }
.Ltmp1:
0x35: {  	(pc) =	sbr.rel @p0 .LBB2_4-.Ltmp1, $3  }
0x36: {  	_ =	sdelay $0x1  }
0x37: {  	_ =	swait.ge [sflag:s19], $0x50  }
0x38: {  	[sflag:s19] =	ssyncset.done $0x0  }
0x39: {  	[sflag:s19] =	ssyncadd.s32 $0xFFFFFFB0  }
0x3a: {  	s0 =	simm.s32 $0x0;
	s1 =	simm.s32 $0x4E20;
	[bflag:$0x0] =	sbarrier.arrive $0xFFFF  }
0x3b: {  	[tilespmem:s1], [sflag:$0x1] =	stream.indirect.gather [spmem:s4], $0x20, s0, s20, $0xb8;
	[tilespmem:$0x19640] =	vst v63  }
0x3c: {  	s21 =	simm.s32 $0x5820  }
0x3d: {  	[tilespmem:s21], [sflag:$0x2] =	stream.indirect.gather [spmem:s4], $0x20, s20, s20, $0xb8;
	[tilespmem:$0x19640] =	vst v63  }
0x3e: {  	s22 =	simm.s32 $0xA0;
	s6 =	simm.s32 $0x6220  }
0x3f: {  	[tilespmem:s6], [sflag:$0x3] =	stream.indirect.gather [spmem:s4], $0x20, s22, s20, $0xb8;
	[tilespmem:$0x19640] =	vst v63  }
0x40: {  	s7 =	simm.s32 $0xF0;
	s8 =	simm.s32 $0x6C20  }
0x41: {  	[tilespmem:s8], [sflag:$0x4] =	stream.indirect.gather [spmem:s4], $0x20, s7, s20, $0xb8;
	[tilespmem:$0x19640] =	vst v63  }
0x42: {  	s10 =	simm.s32 $0x140;
	s11 =	simm.s32 $0x7620  }
0x43: {  	[tilespmem:s11], [sflag:$0x5] =	stream.indirect.gather [spmem:s4], $0x20, s10, s20, $0xb8;
	[tilespmem:$0x19640] =	vst v63  }
0x44: {  	s21 =	simm.s32 $0x190;
	s22 =	simm.s32 $0x8020;
	s7 =	simm.s32 $0x1E0  }
0x45: {  	[tilespmem:s22], [sflag:$0x6] =	stream.indirect.gather [spmem:s4], $0x20, s21, s20, $0xb8;
	[tilespmem:$0x19640] =	vst v63  }
0x46: {  	s8 =	simm.s32 $0x8A20;
	s10 =	simm.s32 $0x230;
	s21 =	sand.u32 $0x7, s0  }
0x47: {  	[tilespmem:s8], [sflag:$0x7] =	stream.indirect.gather [spmem:s4], $0x20, s7, s20, $0xb8;
	[tilespmem:$0x19640] =	vst v63  }
0x48: {  	s11 =	simm.s32 $0x9420;
	s0 =	smul.u32 $0x2800, s21;
	s31 =	sadd.s32 $0x1, s21  }
0x49: {  	[tilespmem:s11], [sflag:$0x8] =	stream.indirect.gather [spmem:s4], $0x20, s10, s20, $0xb8;
	[tilespmem:$0x19640] =	vst v63  }
0x4a: {  	_ =	swait.ge [sflag:s31], $0xA00  }
0x4b: {  	s22 =	sadd.s32 $0x9, s21;
	s0 =	sshrl.u32 s0, $0x2;
	[sflag:s31] =	ssyncset.done $0x0  }
0x4c: {  	s7 =	simm.s32 $0x2710;
	s0 =	sadd.s32 $0x4E20, s0;
	[sflag:s31] =	ssyncadd.s32 $0xFFFFF600  }
0x4d: {  	[spmem:s2] =	stream.indirect.scatter.add.f32 [tilespmem:s0], [sflag:s22], $0x20, s7, s20, $0xb8;
	[tilespmem:$0x19640] =	vst v63  }
0x4e: {  	s6 =	sadd.s32 $0x11, s21  }
0x4f: {  	[spmem:s3] =	stream.indirect.scatter.add.f32 [tilespmem:s17], [sflag:s6], $0x20, s7, s20, $0xb8;
	[tilespmem:$0x19640] =	vst v63  }
0x50: {  	_ =	swait.ge [sflag:s22], $0xA00  }
0x51: {  	s28 =	simm.s32 $0x1;
	s30 =	simm.s32 $0x2760;
	[sflag:s22] =	ssyncset.done $0x0  }
0x52: {  	p1 =	por $0x0, $0x0;
	s29 =	simm.s32 $0x2D0;
	[sflag:s22] =	ssyncadd.s32 $0xFFFFF600  }
0x53: {  	s1 =	simm.s32 $0x2;
	s21 =	simm.s32 $0x280;
	_ =	swait.ge [sflag:s6], $0xA00  }
0x54: {  	s7 =	simm.s32 @!p1 $0x50;
	s22 =	sand.u32 $0x7, s28;
	[sflag:s6] =	ssyncset.done $0x0  }
.LBB2_6:
0x55: {  	s8 =	smul.u32 $0x2800, s22;
	s10 =	sadd.s32 $0x1, s22  }
0x56: {  	[sflag:s6] =	ssyncadd.s32 $0xFFFFF600;
	s11 =	smov.u32 s28;
	s28 =	smov.u32 s1  }
0x57: {  	[tilespmem:s0], [sflag:s31] =	stream.indirect.gather @!p1 [spmem:s4], $0x20, s21, s7, $0xb8;
	[tilespmem:$0x19640] =	vst v63  }
0x58: {  	s1 =	sadd.s32 $0x1, s1;
	s0 =	sshrl.u32 s8, $0x2;
	_ =	swait.ge [sflag:s10], $0xA00  }
0x59: {  	p0 =	sne.s32 s1, $0x7D;
	s0 =	sadd.s32 $0x4E20, s0;
	[sflag:s10] =	ssyncset.done $0x0  }
0x5a: {  	s7 =	sadd.s32 $0x9, s22;
	s31 =	smov.u32 s10;
	[sflag:s10] =	ssyncadd.s32 $0xFFFFF600  }
0x5b: {  	[spmem:s2] =	stream.indirect.scatter.add.f32 [tilespmem:s0], [sflag:s7], $0x20, s30, s20, $0xb8;
	[tilespmem:$0x19640] =	vst v63  }
0x5c: {  	s6 =	sadd.s32 $0x11, s22;
	s21 =	smov.u32 s29  }
0x5d: {  	[spmem:s3] =	stream.indirect.scatter.add.f32 [tilespmem:s17], [sflag:s6], $0x20, s30, s20, $0xb8;
	[tilespmem:$0x19640] =	vst v63  }
.Ltmp2:
0x5e: {  	_ =	swait.ge [sflag:s7], $0xA00;
	(pc) =	sbr.rel @p0 .LBB2_6-.Ltmp2, $4  }
0x5f: {  	[sflag:s7] =	ssyncset.done $0x0  }
0x60: {  	s30 =	sadd.s32 $0x50, s30;
	[sflag:s7] =	ssyncadd.s32 $0xFFFFF600  }
0x61: {  	p1 =	sgt.u32 s11, $0x74;
	s29 =	sadd.s32 $0x50, s29;
	_ =	swait.ge [sflag:s6], $0xA00  }
0x62: {  	s22 =	sand.u32 $0x7, s28;
	s7 =	simm.s32 @!p1 $0x50;
	[sflag:s6] =	ssyncset.done $0x0  }
0x63: {  	s1 =	smul.u32 $0x2800, s22;
	s8 =	sadd.s32 $0x1, s22;
	[sflag:s6] =	ssyncadd.s32 $0xFFFFF600  }
0x64: {  	[tilespmem:s0], [sflag:s31] =	stream.indirect.gather @!p1 [spmem:s4], $0x20, s21, s7, $0xb8;
	[tilespmem:$0x19640] =	vst v63  }
0x65: {  	_ =	swait.ge [sflag:s8], $0xA00  }
0x66: {  	s11 =	sshrl.u32 s1, $0x2;
	[sflag:s8] =	ssyncset.done $0x0  }
0x67: {  	s21 =	sadd.s32 $0x9, s22;
	s0 =	sadd.s32 $0x4E20, s11;
	[sflag:s8] =	ssyncadd.s32 $0xFFFFF600  }
0x68: {  	[spmem:s2] =	stream.indirect.scatter.add.f32 [tilespmem:s0], [sflag:s21], $0x20, s30, s20, $0xb8;
	[tilespmem:$0x19640] =	vst v63  }
0x69: {  	s31 =	sadd.s32 $0x11, s22  }
0x6a: {  	[spmem:s3] =	stream.indirect.scatter.add.f32 [tilespmem:s17], [sflag:s31], $0x20, s30, s20, $0xb8;
	[tilespmem:$0x19640] =	vst v63  }
0x6b: {  	_ =	swait.ge [sflag:s21], $0xA00  }
0x6c: {  	[sflag:s21] =	ssyncset.done $0x0  }
0x6d: {  	[sflag:s21] =	ssyncadd.s32 $0xFFFFF600  }
0x6e: {  	_ =	swait.ge [sflag:s31], $0xA00  }
0x6f: {  	p0 =	sgt.u32 s28, $0x74;
	[sflag:s31] =	ssyncset.done $0x0  }
0x70: {  	s1 =	simm.s32 @!p0 $0x50;
	[sflag:s31] =	ssyncadd.s32 $0xFFFFF600  }
0x71: {  	[tilespmem:s0], [sflag:s8] =	stream.indirect.gather @!p0 [spmem:s4], $0x20, s29, s1, $0xb8;
	[tilespmem:$0x19640] =	vst v63  }
0x72: {  	[bflag:$0x0] =	sbarrier.arrive $0xFFFF  }
0x73: {  	[hbm:s12], [sflag:s24] =	dma.local [spmem:s25], $0xA00  }
0x74: {  	s23 =	sadd.s32 $0x1, s23;
	_ =	swait.ge [sflag:s16], $0xA00  }
0x75: {  	p0 =	sne.s32 s23, s14;
	[sflag:s16] =	ssyncset.done $0x0  }
.Ltmp3:
0x76: {  	[sflag:s16] =	ssyncadd.s32 $0xFFFFF600;
	(pc) =	sbr.rel @p0 .LBB2_1-.Ltmp3, $4  }
0x77: {  	[hbm:s13], [sflag:s24] =	dma.local [spmem:s26], $0xA00  }
0x78: {  	_ =	swait.ge [sflag:s16], $0xA00  }
0x79: {  	[sflag:s16] =	ssyncset.done $0x0  }
0x7a: {  	[sflag:s16] =	ssyncadd.s32 $0xFFFFF600  }
0x7b: {  	_ =	sfence.sel $0x180000  }
0x7c: {  	[bflag:$0x0] =	sbarrier.arrive $0xFFFF  }
0x7d: {  	_ =	strace $0x90000047  }
0x7e: {  	s0 =	stileid.u32;
	[bflag:$0x2] =	sbarrier.arrive $0xFFFF  }
0x7f: {  	p0 =	sne.s32 s0, $0x0;
	s0 =	rddreg [dreg:$0x5]  }
0x80: {  	s0 =	sadd.s32 @!p0 $0x100000, s0  }
0x81: {  	[sflag:s0] =	ssyncadd.tile.s32 @!p0 $0x1;
	_ =	shalt  }
.Lfunc_end2:
_tile_overlayer_lowered:
.L_overlay_start_2:
0x82: {  	(tag) =	ssettag $0x2  }
0x83: {  	s0 =	rddreg [dreg:$0x0];
	s2 =	stileid.u32  }
0x84: {  	s1 =	rddreg [dreg:$0x1];
	p0 =	sne.s32 s2, $0x0  }
0x85: {  	s3 =	rddreg [dreg:$0x2];
	[bflag:$0x3] =	sbarrier.arrive $0xFFFF;
	s2 =	simm.s32 @!p0 $0x1C1A  }
0x86: {  	[timem:s3], [sflag:s2] =	dma.local @!p0 [hbm:s0], s1  }
0x87: {  	s0 =	simm.s32 @!p0 $0x1A  }
0x88: {  	_ =	swait.ge @!p0 [sflag:s0], s1  }
0x89: {  	s1 =	ssub.s32 @!p0 $0x0, s1;
	[sflag:s0] =	ssyncset.done @!p0 $0x0  }
0x8a: {  	[sflag:s0] =	ssyncadd.s32 @!p0 s1  }
0x8b: {  	[bflag:$0x3] =	sbarrier.arrive $0xFFFF  }
0x8c: {  	_ =	shalt  }

</sc_bundles>
